<compile_context>
chip_gen: v7x
topology: tpu7x:2x2x1
jax: 0.10.2.dev20260603
libtpu: 0.0.44.dev20260713+nightly
codegen_flags: <defaults>
</compile_context>

<pallas_src>
import functools

import jax
import jax.numpy as jnp
from jax import lax
from jax.experimental import pallas as pl
from jax.experimental.pallas import tpu as pltpu
from jax.experimental.pallas import tpu_sc as plsc

E = 64
K = 2
AUX_COEF = 0.01
T_BLK = 1024

_NC = 2
_NS = 16
_NW = _NC * _NS
_TPT = 1024
_G = 8


def _router_body(x_ref, w_ref, b_ref, p_ref, pt_ref, psum_ref, cnt_ref,
                 aux_ref):
    i = pl.program_id(0)
    n_tok_total = pl.num_programs(0) * x_ref.shape[0]
    acc = jax.lax.dot_general(
        x_ref[...], w_ref[...], (((1,), (1,)), ((), ())),
        preferred_element_type=jnp.float32)
    lb = (acc + b_ref[...].astype(jnp.float32)).astype(jnp.bfloat16)
    l = lb.astype(jnp.float32)
    e = jnp.exp(l)
    s = jnp.sum(e, axis=-1, keepdims=True)
    inv = 1.0 / s
    p = e * inv
    p_ref[...] = p
    pt_ref[...] = p.T.reshape(E * T_BLK // 128, 128)

    iota = jax.lax.broadcasted_iota(jnp.int32, p.shape, 1)
    pbits = jax.lax.bitcast_convert_type(p, jnp.int32)
    key = (pbits & ~63) | (63 - iota)
    k1 = jnp.max(key, axis=-1, keepdims=True)
    eq1 = key == k1

    ps = jnp.sum(p, axis=0, keepdims=True)
    cs = jnp.sum(eq1.astype(jnp.float32), axis=0, keepdims=True)

    @pl.when(i == 0)
    def _():
        psum_ref[...] = ps
        cnt_ref[...] = cs

    @pl.when(i > 0)
    def _():
        psum_ref[...] += ps
        cnt_ref[...] += cs

    @pl.when(i == pl.num_programs(0) - 1)
    def _():
        scale = E * AUX_COEF / (float(n_tok_total) * float(n_tok_total))
        aux_ref[...] = jnp.sum(psum_ref[...] * cnt_ref[...],
                               axis=(0, 1), keepdims=True) * scale


def _sc_route_body(pt_hbm, w1_hbm, w2_hbm, i1_hbm, i2_hbm, pt_v,
                   w1_v, w2_v, i1_v, i2_v):
    wid = lax.axis_index("s") * _NC + lax.axis_index("c")
    base = wid * _TPT
    pltpu.sync_copy(pt_hbm.at[pl.ds(wid * (_TPT * E), _TPT * E)], pt_v)
    lanes = lax.iota(jnp.int32, 16)

    @plsc.parallel_loop(0, _TPT // (16 * _G))
    def tstep(t):
        tok0 = t * (16 * _G)
        init = []
        for g in range(_G):
            init += [jnp.full((16,), -1.0, jnp.float32),
                     jnp.zeros((16,), jnp.int32),
                     jnp.full((16,), -2.0, jnp.float32),
                     jnp.zeros((16,), jnp.int32)]

        def inner(j, carry):
            cols = jnp.full((16,), j, jnp.int32)
            off = j * _TPT + tok0
            out = []
            for g in range(_G):
                m1, i1, m2, i2 = carry[4 * g:4 * g + 4]
                pj = pt_v[pl.ds(off + 16 * g, 16)]
                gt1 = pj > m1
                gt2 = pj > m2
                m2n = jnp.where(gt1, m1, jnp.where(gt2, pj, m2))
                i2n = jnp.where(gt1, i1, jnp.where(gt2, cols, i2))
                m1n = jnp.where(gt1, pj, m1)
                i1n = jnp.where(gt1, cols, i1)
                out += [m1n, i1n, m2n, i2n]
            return tuple(out)

        res = lax.fori_loop(0, E, inner, tuple(init))
        for g in range(_G):
            m1, i1, m2, i2 = res[4 * g:4 * g + 4]
            e2 = jnp.exp(m2 - m1)
            den = 1.0 + e2
            sl = pl.ds(tok0 + 16 * g, 16)
            w1_v[sl] = 1.0 / den
            w2_v[sl] = e2 / den
            i1_v[sl] = i1
            i2_v[sl] = i2

    pltpu.sync_copy(w1_v, w1_hbm.at[pl.ds(base, _TPT)])
    pltpu.sync_copy(w2_v, w2_hbm.at[pl.ds(base, _TPT)])
    pltpu.sync_copy(i1_v, i1_hbm.at[pl.ds(base, _TPT)])
    pltpu.sync_copy(i2_v, i2_hbm.at[pl.ds(base, _TPT)])


def kernel(hidden_states, W, b):
    Bx, Sx, H = hidden_states.shape
    n = Bx * Sx
    flat = hidden_states.reshape(n, H)
    b2 = b.reshape(1, E)
    grid = n // T_BLK

    probs, probs_t, _psum, _cnt, aux = pl.pallas_call(
        _router_body,
        grid=(grid,),
        in_specs=[
            pl.BlockSpec((T_BLK, H), lambda i: (i, 0)),
            pl.BlockSpec((E, H), lambda i: (0, 0)),
            pl.BlockSpec((1, E), lambda i: (0, 0)),
        ],
        out_specs=[
            pl.BlockSpec((T_BLK, E), lambda i: (i, 0)),
            pl.BlockSpec((E * T_BLK // 128, 128), lambda i: (i, 0)),
            pl.BlockSpec((1, E), lambda i: (0, 0)),
            pl.BlockSpec((1, E), lambda i: (0, 0)),
            pl.BlockSpec((1, 1), lambda i: (0, 0)),
        ],
        out_shape=[
            jax.ShapeDtypeStruct((n, E), jnp.float32),
            jax.ShapeDtypeStruct((grid * E * T_BLK // 128, 128), jnp.float32),
            jax.ShapeDtypeStruct((1, E), jnp.float32),
            jax.ShapeDtypeStruct((1, E), jnp.float32),
            jax.ShapeDtypeStruct((1, 1), jnp.float32),
        ],
    )(flat, W, b2)

    mesh = plsc.VectorSubcoreMesh(core_axis_name="c", subcore_axis_name="s")
    sc_route = functools.partial(
        pl.kernel,
        mesh=mesh,
        out_type=[
            jax.ShapeDtypeStruct((n,), jnp.float32),
            jax.ShapeDtypeStruct((n,), jnp.float32),
            jax.ShapeDtypeStruct((n,), jnp.int32),
            jax.ShapeDtypeStruct((n,), jnp.int32),
        ],
        scratch_types=[
            pltpu.VMEM((_TPT * E,), jnp.float32),
            pltpu.VMEM((_TPT,), jnp.float32),
            pltpu.VMEM((_TPT,), jnp.float32),
            pltpu.VMEM((_TPT,), jnp.int32),
            pltpu.VMEM((_TPT,), jnp.int32),
        ],
    )(_sc_route_body)
    w1, w2, i1, i2 = sc_route(probs_t.reshape(-1))

    weights = jnp.stack([w1, w2], axis=1)
    indices = jnp.stack([i1, i2], axis=1)
    return (weights, indices, probs, aux[0, 0])

# --- scband reference (transcript-rebuilt; emitter-appended) ---
"""Pipeline reference for scband-gpt5-mo-erouter-41824391528973 (READ-ONLY COPY).

The authoritative reference and input builder live on the scoring server;
editing this copy changes nothing except your own understanding.
"""

import jax, jax.numpy as jnp
import numpy as np

B = 4
S = 8192
HIDDEN = 768
E = 64
K = 2
CAPACITY_FACTOR = 1.25
AUX_COEF = 0.01


def setup_inputs(seed: int = 0) -> dict:
    key = jax.random.key(seed)
    k1, k2 = jax.random.split(key, 2)
    hidden_states = jax.random.normal(k1, (B, S, HIDDEN), dtype=jnp.float32).astype(jnp.bfloat16)
    std = 0.02 / np.sqrt(2 * HIDDEN)
    W = (jax.random.normal(k2, (E, HIDDEN), dtype=jnp.float32) * std).astype(jnp.bfloat16)
    b = jnp.full((E,), -np.log(E), dtype=jnp.float32).astype(jnp.bfloat16)
    return {"hidden_states": hidden_states, "W": W, "b": b}


def reference(hidden_states, W, b):
    Bx, Sx, H = hidden_states.shape
    num_tokens = Bx * Sx
    flat = hidden_states.reshape(-1, H)
    # router linear (bf16 matmul like torch nn.Linear with bf16 params)
    router_logits = flat @ W.T + b
    # eval mode: no jitter noise
    # F.softmax(..., dtype=float32)
    router_probs = jax.nn.softmax(router_logits.astype(jnp.float32), axis=-1)
    expert_weights, expert_indices = jax.lax.top_k(router_probs, K)
    expert_weights = jax.nn.softmax(expert_weights.astype(jnp.float32), axis=-1)
    # capacity mask is computed in the torch module but does not affect any
    # returned tensor in eval mode (only used for training-time stats), so it
    # is omitted from the output path.
    # load balancing aux loss on top-1 expert assignment
    router_prob_per_expert = router_probs.mean(axis=0)
    expert_mask = jax.nn.one_hot(expert_indices[:, 0], E, dtype=jnp.float32)
    expert_utilization = expert_mask.mean(axis=0)
    aux_loss = jnp.sum(router_prob_per_expert * expert_utilization) * E * AUX_COEF
    return (expert_weights, expert_indices, router_probs, aux_loss)

if __name__ == "__main__":
    import jax
    _d = setup_inputs()
    print(jax.jit(kernel)(*tuple(_d.values())))

</pallas_src>

<mosaic_0001>
#map = affine_map<(d0, d1) -> (0)>
module attributes {stable_mosaic.version = 14 : i64} {
  func.func @_sc_route_body(%arg0: i32, %arg1: i32, %arg2: memref<2097152xf32, #tpu.memory_space<hbm>>, %arg3: memref<32768xf32, #tpu.memory_space<hbm>>, %arg4: memref<32768xf32, #tpu.memory_space<hbm>>, %arg5: memref<32768xi32, #tpu.memory_space<hbm>>, %arg6: memref<32768xi32, #tpu.memory_space<hbm>>, %arg7: memref<65536xf32, #tpu.memory_space<vmem>>, %arg8: memref<1024xf32, #tpu.memory_space<vmem>>, %arg9: memref<1024xf32, #tpu.memory_space<vmem>>, %arg10: memref<1024xi32, #tpu.memory_space<vmem>>, %arg11: memref<1024xi32, #tpu.memory_space<vmem>>) attributes {dimension_semantics = [#tpu.dimension_semantics<core_parallel>, #tpu.dimension_semantics<subcore_parallel>], iteration_bounds = array<i64: 2, 16>, scalar_prefetch = 0 : i64, scratch_operands = 5 : i64, tpu.core_type = #tpu.core_type<sc_vector_subcore>, window_params = [{transform_indices = #map}, {transform_indices = #map}, {transform_indices = #map}, {transform_indices = #map}, {transform_indices = #map}]} {
    %mul3A = arith.constant 2 : i32
    %mul3A_0 = arith.muli %arg1, %mul3A : i32
    %add3A = arith.addi %mul3A_0, %arg0 : i32
    %mul3A_1 = arith.constant 1024 : i32
    %mul3A_2 = arith.muli %add3A, %mul3A_1 : i32
    %mul3A_3 = arith.constant 65536 : i32
    %mul3A_4 = arith.muli %add3A, %mul3A_3 : i32
    "tpu.region"() ({
      %run_scoped3A = tpu.sem_alloc : memref<!tpu.dma_semaphore, #tpu.memory_space<semaphore_mem>>
      %dma_start3A = tpu.memref_slice %arg2[%mul3A_4] : memref<2097152xf32, #tpu.memory_space<hbm>> -> memref<65536xf32, #tpu.memory_space<hbm>>
      %dma_start3A_7 = tpu.memref_slice %arg2[%mul3A_4] : memref<2097152xf32, #tpu.memory_space<hbm>> -> memref<65536xf32, #tpu.memory_space<hbm>>
      tpu.enqueue_dma source(%dma_start3A_7 : memref<65536xf32, #tpu.memory_space<hbm>>) target(%arg7 : memref<65536xf32, #tpu.memory_space<vmem>>) target_semaphore(%run_scoped3A : memref<!tpu.dma_semaphore, #tpu.memory_space<semaphore_mem>>)
      %dma_wait3A = tpu.memref_slice %arg2[%mul3A_4] : memref<2097152xf32, #tpu.memory_space<hbm>> -> memref<65536xf32, #tpu.memory_space<hbm>>
      %dma_wait3A_8 = tpu.memref_slice %arg2[%mul3A_4] : memref<2097152xf32, #tpu.memory_space<hbm>> -> memref<65536xf32, #tpu.memory_space<hbm>>
      tpu.wait_dma2 semaphore(%run_scoped3A : memref<!tpu.dma_semaphore, #tpu.memory_space<semaphore_mem>>) src(%dma_wait3A_8 : memref<65536xf32, #tpu.memory_space<hbm>>) dst(%arg7 : memref<65536xf32, #tpu.memory_space<vmem>>)
      tpu.yield
    }) : () -> ()
    %iota3A = tpu.iota {dimensions = array<i32: 0>} : vector<16xi32>
    %parallel_loop3A = arith.constant 0 : i32
    %parallel_loop3A_5 = arith.constant 8 : i32
    %parallel_loop3A_6 = arith.constant 1 : i32
    scf.for %parallel_loop3A_7 = %parallel_loop3A to %parallel_loop3A_5 step %parallel_loop3A_6  : i32 {
      %parallel_loop3A_8 = arith.constant 128 : i32
      %parallel_loop3A_9 = arith.muli %parallel_loop3A_7, %parallel_loop3A_8 : i32
      %parallel_loop3A_10 = arith.constant -1.000000e+00 : f32
      %parallel_loop3A_11 = vector.broadcast %parallel_loop3A_10 : f32 to vector<16xf32>
      %parallel_loop3A_12 = arith.constant 0 : i32
      %parallel_loop3A_13 = vector.broadcast %parallel_loop3A_12 : i32 to vector<16xi32>
      %parallel_loop3A_14 = arith.constant -2.000000e+00 : f32
      %parallel_loop3A_15 = vector.broadcast %parallel_loop3A_14 : f32 to vector<16xf32>
      %parallel_loop3A_16 = arith.constant 0 : i32
      %parallel_loop3A_17 = vector.broadcast %parallel_loop3A_16 : i32 to vector<16xi32>
      %parallel_loop3A_18 = arith.constant -1.000000e+00 : f32
      %parallel_loop3A_19 = vector.broadcast %parallel_loop3A_18 : f32 to vector<16xf32>
      %parallel_loop3A_20 = arith.constant 0 : i32
      %parallel_loop3A_21 = vector.broadcast %parallel_loop3A_20 : i32 to vector<16xi32>
      %parallel_loop3A_22 = arith.constant -2.000000e+00 : f32
      %parallel_loop3A_23 = vector.broadcast %parallel_loop3A_22 : f32 to vector<16xf32>
      %parallel_loop3A_24 = arith.constant 0 : i32
      %parallel_loop3A_25 = vector.broadcast %parallel_loop3A_24 : i32 to vector<16xi32>
      %parallel_loop3A_26 = arith.constant -1.000000e+00 : f32
      %parallel_loop3A_27 = vector.broadcast %parallel_loop3A_26 : f32 to vector<16xf32>
      %parallel_loop3A_28 = arith.constant 0 : i32
      %parallel_loop3A_29 = vector.broadcast %parallel_loop3A_28 : i32 to vector<16xi32>
      %parallel_loop3A_30 = arith.constant -2.000000e+00 : f32
      %parallel_loop3A_31 = vector.broadcast %parallel_loop3A_30 : f32 to vector<16xf32>
      %parallel_loop3A_32 = arith.constant 0 : i32
      %parallel_loop3A_33 = vector.broadcast %parallel_loop3A_32 : i32 to vector<16xi32>
      %parallel_loop3A_34 = arith.constant -1.000000e+00 : f32
      %parallel_loop3A_35 = vector.broadcast %parallel_loop3A_34 : f32 to vector<16xf32>
      %parallel_loop3A_36 = arith.constant 0 : i32
      %parallel_loop3A_37 = vector.broadcast %parallel_loop3A_36 : i32 to vector<16xi32>
      %parallel_loop3A_38 = arith.constant -2.000000e+00 : f32
      %parallel_loop3A_39 = vector.broadcast %parallel_loop3A_38 : f32 to vector<16xf32>
      %parallel_loop3A_40 = arith.constant 0 : i32
      %parallel_loop3A_41 = vector.broadcast %parallel_loop3A_40 : i32 to vector<16xi32>
      %parallel_loop3A_42 = arith.constant -1.000000e+00 : f32
      %parallel_loop3A_43 = vector.broadcast %parallel_loop3A_42 : f32 to vector<16xf32>
      %parallel_loop3A_44 = arith.constant 0 : i32
      %parallel_loop3A_45 = vector.broadcast %parallel_loop3A_44 : i32 to vector<16xi32>
      %parallel_loop3A_46 = arith.constant -2.000000e+00 : f32
      %parallel_loop3A_47 = vector.broadcast %parallel_loop3A_46 : f32 to vector<16xf32>
      %parallel_loop3A_48 = arith.constant 0 : i32
      %parallel_loop3A_49 = vector.broadcast %parallel_loop3A_48 : i32 to vector<16xi32>
      %parallel_loop3A_50 = arith.constant -1.000000e+00 : f32
      %parallel_loop3A_51 = vector.broadcast %parallel_loop3A_50 : f32 to vector<16xf32>
      %parallel_loop3A_52 = arith.constant 0 : i32
      %parallel_loop3A_53 = vector.broadcast %parallel_loop3A_52 : i32 to vector<16xi32>
      %parallel_loop3A_54 = arith.constant -2.000000e+00 : f32
      %parallel_loop3A_55 = vector.broadcast %parallel_loop3A_54 : f32 to vector<16xf32>
      %parallel_loop3A_56 = arith.constant 0 : i32
      %parallel_loop3A_57 = vector.broadcast %parallel_loop3A_56 : i32 to vector<16xi32>
      %parallel_loop3A_58 = arith.constant -1.000000e+00 : f32
      %parallel_loop3A_59 = vector.broadcast %parallel_loop3A_58 : f32 to vector<16xf32>
      %parallel_loop3A_60 = arith.constant 0 : i32
      %parallel_loop3A_61 = vector.broadcast %parallel_loop3A_60 : i32 to vector<16xi32>
      %parallel_loop3A_62 = arith.constant -2.000000e+00 : f32
      %parallel_loop3A_63 = vector.broadcast %parallel_loop3A_62 : f32 to vector<16xf32>
      %parallel_loop3A_64 = arith.constant 0 : i32
      %parallel_loop3A_65 = vector.broadcast %parallel_loop3A_64 : i32 to vector<16xi32>
      %parallel_loop3A_66 = arith.constant -1.000000e+00 : f32
      %parallel_loop3A_67 = vector.broadcast %parallel_loop3A_66 : f32 to vector<16xf32>
      %parallel_loop3A_68 = arith.constant 0 : i32
      %parallel_loop3A_69 = vector.broadcast %parallel_loop3A_68 : i32 to vector<16xi32>
      %parallel_loop3A_70 = arith.constant -2.000000e+00 : f32
      %parallel_loop3A_71 = vector.broadcast %parallel_loop3A_70 : f32 to vector<16xf32>
      %parallel_loop3A_72 = arith.constant 0 : i32
      %parallel_loop3A_73 = vector.broadcast %parallel_loop3A_72 : i32 to vector<16xi32>
      %parallel_loop3A_74 = arith.constant 0 : i32
      %parallel_loop3A_75 = arith.constant 64 : i32
      %parallel_loop3A_76 = arith.addi %parallel_loop3A_74, %parallel_loop3A_75 : i32
      %parallel_loop3A_77 = arith.constant 1 : i32
      %parallel_loop3A_78:32 = scf.for %scan3A = %parallel_loop3A_74 to %parallel_loop3A_76 step %parallel_loop3A_77 iter_args(%scan3A_296 = %parallel_loop3A_11, %scan3A_297 = %parallel_loop3A_13, %scan3A_298 = %parallel_loop3A_15, %scan3A_299 = %parallel_loop3A_17, %scan3A_300 = %parallel_loop3A_19, %scan3A_301 = %parallel_loop3A_21, %scan3A_302 = %parallel_loop3A_23, %scan3A_303 = %parallel_loop3A_25, %scan3A_304 = %parallel_loop3A_27, %scan3A_305 = %parallel_loop3A_29, %scan3A_306 = %parallel_loop3A_31, %scan3A_307 = %parallel_loop3A_33, %scan3A_308 = %parallel_loop3A_35, %scan3A_309 = %parallel_loop3A_37, %scan3A_310 = %parallel_loop3A_39, %scan3A_311 = %parallel_loop3A_41, %scan3A_312 = %parallel_loop3A_43, %scan3A_313 = %parallel_loop3A_45, %scan3A_314 = %parallel_loop3A_47, %scan3A_315 = %parallel_loop3A_49, %scan3A_316 = %parallel_loop3A_51, %scan3A_317 = %parallel_loop3A_53, %scan3A_318 = %parallel_loop3A_55, %scan3A_319 = %parallel_loop3A_57, %scan3A_320 = %parallel_loop3A_59, %scan3A_321 = %parallel_loop3A_61, %scan3A_322 = %parallel_loop3A_63, %scan3A_323 = %parallel_loop3A_65, %scan3A_324 = %parallel_loop3A_67, %scan3A_325 = %parallel_loop3A_69, %scan3A_326 = %parallel_loop3A_71, %scan3A_327 = %parallel_loop3A_73) -> (vector<16xf32>, vector<16xi32>, vector<16xf32>, vector<16xi32>, vector<16xf32>, vector<16xi32>, vector<16xf32>, vector<16xi32>, vector<16xf32>, vector<16xi32>, vector<16xf32>, vector<16xi32>, vector<16xf32>, vector<16xi32>, vector<16xf32>, vector<16xi32>, vector<16xf32>, vector<16xi32>, vector<16xf32>, vector<16xi32>, vector<16xf32>, vector<16xi32>, vector<16xf32>, vector<16xi32>, vector<16xf32>, vector<16xi32>, vector<16xf32>, vector<16xi32>, vector<16xf32>, vector<16xi32>, vector<16xf32>, vector<16xi32>)  : i32 {
        %parallel_loop3A_328 = vector.broadcast %scan3A : i32 to vector<16xi32>
        %parallel_loop3A_329 = arith.constant 1024 : i32
        %parallel_loop3A_330 = arith.muli %scan3A, %parallel_loop3A_329 : i32
        %parallel_loop3A_331 = arith.addi %parallel_loop3A_330, %parallel_loop3A_9 : i32
        %parallel_loop3A_332 = arith.constant 0 : i32
        %parallel_loop3A_333 = arith.addi %parallel_loop3A_331, %parallel_loop3A_332 : i32
        %parallel_loop3A_334 = arith.index_cast %parallel_loop3A_333 : i32 to index
        %parallel_loop3A_335 = tpu.vector_load %arg7[%parallel_loop3A_334] {strides = array<i32>} : memref<65536xf32, #tpu.memory_space<vmem>>, vector<16xf32>,
        %parallel_loop3A_336 = vector.shape_cast %parallel_loop3A_335 : vector<16xf32> to vector<16xf32>
        %parallel_loop3A_337 = arith.cmpf ogt, %parallel_loop3A_336, %scan3A_296 : vector<16xf32>
        %parallel_loop3A_338 = arith.cmpf ogt, %parallel_loop3A_336, %scan3A_298 : vector<16xf32>
        %parallel_loop3A_339 = arith.select %parallel_loop3A_338, %parallel_loop3A_336, %scan3A_298 : vector<16xi1>, vector<16xf32>
        %parallel_loop3A_340 = arith.select %parallel_loop3A_337, %scan3A_296, %parallel_loop3A_339 : vector<16xi1>, vector<16xf32>
        %parallel_loop3A_341 = arith.select %parallel_loop3A_338, %parallel_loop3A_328, %scan3A_299 : vector<16xi1>, vector<16xi32>
        %parallel_loop3A_342 = arith.select %parallel_loop3A_337, %scan3A_297, %parallel_loop3A_341 : vector<16xi1>, vector<16xi32>
        %parallel_loop3A_343 = arith.select %parallel_loop3A_337, %parallel_loop3A_336, %scan3A_296 : vector<16xi1>, vector<16xf32>
        %parallel_loop3A_344 = arith.select %parallel_loop3A_337, %parallel_loop3A_328, %scan3A_297 : vector<16xi1>, vector<16xi32>
        %parallel_loop3A_345 = arith.constant 16 : i32
        %parallel_loop3A_346 = arith.addi %parallel_loop3A_331, %parallel_loop3A_345 : i32
        %parallel_loop3A_347 = arith.index_cast %parallel_loop3A_346 : i32 to index
        %parallel_loop3A_348 = tpu.vector_load %arg7[%parallel_loop3A_347] {strides = array<i32>} : memref<65536xf32, #tpu.memory_space<vmem>>, vector<16xf32>,
        %parallel_loop3A_349 = vector.shape_cast %parallel_loop3A_348 : vector<16xf32> to vector<16xf32>
        %parallel_loop3A_350 = arith.cmpf ogt, %parallel_loop3A_349, %scan3A_300 : vector<16xf32>
        %parallel_loop3A_351 = arith.cmpf ogt, %parallel_loop3A_349, %scan3A_302 : vector<16xf32>
        %parallel_loop3A_352 = arith.select %parallel_loop3A_351, %parallel_loop3A_349, %scan3A_302 : vector<16xi1>, vector<16xf32>
        %parallel_loop3A_353 = arith.select %parallel_loop3A_350, %scan3A_300, %parallel_loop3A_352 : vector<16xi1>, vector<16xf32>
        %parallel_loop3A_354 = arith.select %parallel_loop3A_351, %parallel_loop3A_328, %scan3A_303 : vector<16xi1>, vector<16xi32>
        %parallel_loop3A_355 = arith.select %parallel_loop3A_350, %scan3A_301, %parallel_loop3A_354 : vector<16xi1>, vector<16xi32>
        %parallel_loop3A_356 = arith.select %parallel_loop3A_350, %parallel_loop3A_349, %scan3A_300 : vector<16xi1>, vector<16xf32>
        %parallel_loop3A_357 = arith.select %parallel_loop3A_350, %parallel_loop3A_328, %scan3A_301 : vector<16xi1>, vector<16xi32>
        %parallel_loop3A_358 = arith.constant 32 : i32
        %parallel_loop3A_359 = arith.addi %parallel_loop3A_331, %parallel_loop3A_358 : i32
        %parallel_loop3A_360 = arith.index_cast %parallel_loop3A_359 : i32 to index
        %parallel_loop3A_361 = tpu.vector_load %arg7[%parallel_loop3A_360] {strides = array<i32>} : memref<65536xf32, #tpu.memory_space<vmem>>, vector<16xf32>,
        %parallel_loop3A_362 = vector.shape_cast %parallel_loop3A_361 : vector<16xf32> to vector<16xf32>
        %parallel_loop3A_363 = arith.cmpf ogt, %parallel_loop3A_362, %scan3A_304 : vector<16xf32>
        %parallel_loop3A_364 = arith.cmpf ogt, %parallel_loop3A_362, %scan3A_306 : vector<16xf32>
        %parallel_loop3A_365 = arith.select %parallel_loop3A_364, %parallel_loop3A_362, %scan3A_306 : vector<16xi1>, vector<16xf32>
        %parallel_loop3A_366 = arith.select %parallel_loop3A_363, %scan3A_304, %parallel_loop3A_365 : vector<16xi1>, vector<16xf32>
        %parallel_loop3A_367 = arith.select %parallel_loop3A_364, %parallel_loop3A_328, %scan3A_307 : vector<16xi1>, vector<16xi32>
        %parallel_loop3A_368 = arith.select %parallel_loop3A_363, %scan3A_305, %parallel_loop3A_367 : vector<16xi1>, vector<16xi32>
        %parallel_loop3A_369 = arith.select %parallel_loop3A_363, %parallel_loop3A_362, %scan3A_304 : vector<16xi1>, vector<16xf32>
        %parallel_loop3A_370 = arith.select %parallel_loop3A_363, %parallel_loop3A_328, %scan3A_305 : vector<16xi1>, vector<16xi32>
        %parallel_loop3A_371 = arith.constant 48 : i32
        %parallel_loop3A_372 = arith.addi %parallel_loop3A_331, %parallel_loop3A_371 : i32
        %parallel_loop3A_373 = arith.index_cast %parallel_loop3A_372 : i32 to index
        %parallel_loop3A_374 = tpu.vector_load %arg7[%parallel_loop3A_373] {strides = array<i32>} : memref<65536xf32, #tpu.memory_space<vmem>>, vector<16xf32>,
        %parallel_loop3A_375 = vector.shape_cast %parallel_loop3A_374 : vector<16xf32> to vector<16xf32>
        %parallel_loop3A_376 = arith.cmpf ogt, %parallel_loop3A_375, %scan3A_308 : vector<16xf32>
        %parallel_loop3A_377 = arith.cmpf ogt, %parallel_loop3A_375, %scan3A_310 : vector<16xf32>
        %parallel_loop3A_378 = arith.select %parallel_loop3A_377, %parallel_loop3A_375, %scan3A_310 : vector<16xi1>, vector<16xf32>
        %parallel_loop3A_379 = arith.select %parallel_loop3A_376, %scan3A_308, %parallel_loop3A_378 : vector<16xi1>, vector<16xf32>
        %parallel_loop3A_380 = arith.select %parallel_loop3A_377, %parallel_loop3A_328, %scan3A_311 : vector<16xi1>, vector<16xi32>
        %parallel_loop3A_381 = arith.select %parallel_loop3A_376, %scan3A_309, %parallel_loop3A_380 : vector<16xi1>, vector<16xi32>
        %parallel_loop3A_382 = arith.select %parallel_loop3A_376, %parallel_loop3A_375, %scan3A_308 : vector<16xi1>, vector<16xf32>
        %parallel_loop3A_383 = arith.select %parallel_loop3A_376, %parallel_loop3A_328, %scan3A_309 : vector<16xi1>, vector<16xi32>
        %parallel_loop3A_384 = arith.constant 64 : i32
        %parallel_loop3A_385 = arith.addi %parallel_loop3A_331, %parallel_loop3A_384 : i32
        %parallel_loop3A_386 = arith.index_cast %parallel_loop3A_385 : i32 to index
        %parallel_loop3A_387 = tpu.vector_load %arg7[%parallel_loop3A_386] {strides = array<i32>} : memref<65536xf32, #tpu.memory_space<vmem>>, vector<16xf32>,
        %parallel_loop3A_388 = vector.shape_cast %parallel_loop3A_387 : vector<16xf32> to vector<16xf32>
        %parallel_loop3A_389 = arith.cmpf ogt, %parallel_loop3A_388, %scan3A_312 : vector<16xf32>
        %parallel_loop3A_390 = arith.cmpf ogt, %parallel_loop3A_388, %scan3A_314 : vector<16xf32>
        %parallel_loop3A_391 = arith.select %parallel_loop3A_390, %parallel_loop3A_388, %scan3A_314 : vector<16xi1>, vector<16xf32>
        %parallel_loop3A_392 = arith.select %parallel_loop3A_389, %scan3A_312, %parallel_loop3A_391 : vector<16xi1>, vector<16xf32>
        %parallel_loop3A_393 = arith.select %parallel_loop3A_390, %parallel_loop3A_328, %scan3A_315 : vector<16xi1>, vector<16xi32>
        %parallel_loop3A_394 = arith.select %parallel_loop3A_389, %scan3A_313, %parallel_loop3A_393 : vector<16xi1>, vector<16xi32>
        %parallel_loop3A_395 = arith.select %parallel_loop3A_389, %parallel_loop3A_388, %scan3A_312 : vector<16xi1>, vector<16xf32>
        %parallel_loop3A_396 = arith.select %parallel_loop3A_389, %parallel_loop3A_328, %scan3A_313 : vector<16xi1>, vector<16xi32>
        %parallel_loop3A_397 = arith.constant 80 : i32
        %parallel_loop3A_398 = arith.addi %parallel_loop3A_331, %parallel_loop3A_397 : i32
        %parallel_loop3A_399 = arith.index_cast %parallel_loop3A_398 : i32 to index
        %parallel_loop3A_400 = tpu.vector_load %arg7[%parallel_loop3A_399] {strides = array<i32>} : memref<65536xf32, #tpu.memory_space<vmem>>, vector<16xf32>,
        %parallel_loop3A_401 = vector.shape_cast %parallel_loop3A_400 : vector<16xf32> to vector<16xf32>
        %parallel_loop3A_402 = arith.cmpf ogt, %parallel_loop3A_401, %scan3A_316 : vector<16xf32>
        %parallel_loop3A_403 = arith.cmpf ogt, %parallel_loop3A_401, %scan3A_318 : vector<16xf32>
        %parallel_loop3A_404 = arith.select %parallel_loop3A_403, %parallel_loop3A_401, %scan3A_318 : vector<16xi1>, vector<16xf32>
        %parallel_loop3A_405 = arith.select %parallel_loop3A_402, %scan3A_316, %parallel_loop3A_404 : vector<16xi1>, vector<16xf32>
        %parallel_loop3A_406 = arith.select %parallel_loop3A_403, %parallel_loop3A_328, %scan3A_319 : vector<16xi1>, vector<16xi32>
        %parallel_loop3A_407 = arith.select %parallel_loop3A_402, %scan3A_317, %parallel_loop3A_406 : vector<16xi1>, vector<16xi32>
        %parallel_loop3A_408 = arith.select %parallel_loop3A_402, %parallel_loop3A_401, %scan3A_316 : vector<16xi1>, vector<16xf32>
        %parallel_loop3A_409 = arith.select %parallel_loop3A_402, %parallel_loop3A_328, %scan3A_317 : vector<16xi1>, vector<16xi32>
        %parallel_loop3A_410 = arith.constant 96 : i32
        %parallel_loop3A_411 = arith.addi %parallel_loop3A_331, %parallel_loop3A_410 : i32
        %parallel_loop3A_412 = arith.index_cast %parallel_loop3A_411 : i32 to index
        %parallel_loop3A_413 = tpu.vector_load %arg7[%parallel_loop3A_412] {strides = array<i32>} : memref<65536xf32, #tpu.memory_space<vmem>>, vector<16xf32>,
        %parallel_loop3A_414 = vector.shape_cast %parallel_loop3A_413 : vector<16xf32> to vector<16xf32>
        %parallel_loop3A_415 = arith.cmpf ogt, %parallel_loop3A_414, %scan3A_320 : vector<16xf32>
        %parallel_loop3A_416 = arith.cmpf ogt, %parallel_loop3A_414, %scan3A_322 : vector<16xf32>
        %parallel_loop3A_417 = arith.select %parallel_loop3A_416, %parallel_loop3A_414, %scan3A_322 : vector<16xi1>, vector<16xf32>
        %parallel_loop3A_418 = arith.select %parallel_loop3A_415, %scan3A_320, %parallel_loop3A_417 : vector<16xi1>, vector<16xf32>
        %parallel_loop3A_419 = arith.select %parallel_loop3A_416, %parallel_loop3A_328, %scan3A_323 : vector<16xi1>, vector<16xi32>
        %parallel_loop3A_420 = arith.select %parallel_loop3A_415, %scan3A_321, %parallel_loop3A_419 : vector<16xi1>, vector<16xi32>
        %parallel_loop3A_421 = arith.select %parallel_loop3A_415, %parallel_loop3A_414, %scan3A_320 : vector<16xi1>, vector<16xf32>
        %parallel_loop3A_422 = arith.select %parallel_loop3A_415, %parallel_loop3A_328, %scan3A_321 : vector<16xi1>, vector<16xi32>
        %parallel_loop3A_423 = arith.constant 112 : i32
        %parallel_loop3A_424 = arith.addi %parallel_loop3A_331, %parallel_loop3A_423 : i32
        %parallel_loop3A_425 = arith.index_cast %parallel_loop3A_424 : i32 to index
        %parallel_loop3A_426 = tpu.vector_load %arg7[%parallel_loop3A_425] {strides = array<i32>} : memref<65536xf32, #tpu.memory_space<vmem>>, vector<16xf32>,
        %parallel_loop3A_427 = vector.shape_cast %parallel_loop3A_426 : vector<16xf32> to vector<16xf32>
        %parallel_loop3A_428 = arith.cmpf ogt, %parallel_loop3A_427, %scan3A_324 : vector<16xf32>
        %parallel_loop3A_429 = arith.cmpf ogt, %parallel_loop3A_427, %scan3A_326 : vector<16xf32>
        %parallel_loop3A_430 = arith.select %parallel_loop3A_429, %parallel_loop3A_427, %scan3A_326 : vector<16xi1>, vector<16xf32>
        %parallel_loop3A_431 = arith.select %parallel_loop3A_428, %scan3A_324, %parallel_loop3A_430 : vector<16xi1>, vector<16xf32>
        %parallel_loop3A_432 = arith.select %parallel_loop3A_429, %parallel_loop3A_328, %scan3A_327 : vector<16xi1>, vector<16xi32>
        %parallel_loop3A_433 = arith.select %parallel_loop3A_428, %scan3A_325, %parallel_loop3A_432 : vector<16xi1>, vector<16xi32>
        %parallel_loop3A_434 = arith.select %parallel_loop3A_428, %parallel_loop3A_427, %scan3A_324 : vector<16xi1>, vector<16xf32>
        %parallel_loop3A_435 = arith.select %parallel_loop3A_428, %parallel_loop3A_328, %scan3A_325 : vector<16xi1>, vector<16xi32>
        scf.yield %parallel_loop3A_343, %parallel_loop3A_344, %parallel_loop3A_340, %parallel_loop3A_342, %parallel_loop3A_356, %parallel_loop3A_357, %parallel_loop3A_353, %parallel_loop3A_355, %parallel_loop3A_369, %parallel_loop3A_370, %parallel_loop3A_366, %parallel_loop3A_368, %parallel_loop3A_382, %parallel_loop3A_383, %parallel_loop3A_379, %parallel_loop3A_381, %parallel_loop3A_395, %parallel_loop3A_396, %parallel_loop3A_392, %parallel_loop3A_394, %parallel_loop3A_408, %parallel_loop3A_409, %parallel_loop3A_405, %parallel_loop3A_407, %parallel_loop3A_421, %parallel_loop3A_422, %parallel_loop3A_418, %parallel_loop3A_420, %parallel_loop3A_434, %parallel_loop3A_435, %parallel_loop3A_431, %parallel_loop3A_433 : vector<16xf32>, vector<16xi32>, vector<16xf32>, vector<16xi32>, vector<16xf32>, vector<16xi32>, vector<16xf32>, vector<16xi32>, vector<16xf32>, vector<16xi32>, vector<16xf32>, vector<16xi32>, vector<16xf32>, vector<16xi32>, vector<16xf32>, vector<16xi32>, vector<16xf32>, vector<16xi32>, vector<16xf32>, vector<16xi32>, vector<16xf32>, vector<16xi32>, vector<16xf32>, vector<16xi32>, vector<16xf32>, vector<16xi32>, vector<16xf32>, vector<16xi32>, vector<16xf32>, vector<16xi32>, vector<16xf32>, vector<16xi32>
      }
      %parallel_loop3A_79 = arith.constant 64 : i32
      %parallel_loop3A_80 = arith.subf %parallel_loop3A_78#2, %parallel_loop3A_78#0 : vector<16xf32>
      %parallel_loop3A_81 = math.exp %parallel_loop3A_80 : vector<16xf32>
      %parallel_loop3A_82 = arith.constant 1.000000e+00 : f32
      %parallel_loop3A_83 = vector.broadcast %parallel_loop3A_82 : f32 to vector<16xf32>
      %parallel_loop3A_84 = arith.addf %parallel_loop3A_83, %parallel_loop3A_81 : vector<16xf32>
      %parallel_loop3A_85 = arith.constant 0 : i32
      %parallel_loop3A_86 = arith.addi %parallel_loop3A_9, %parallel_loop3A_85 : i32
      %parallel_loop3A_87 = arith.constant 1.000000e+00 : f32
      %parallel_loop3A_88 = vector.broadcast %parallel_loop3A_87 : f32 to vector<16xf32>
      %parallel_loop3A_89 = arith.divf %parallel_loop3A_88, %parallel_loop3A_84 : vector<16xf32>
      %parallel_loop3A_90 = arith.index_cast %parallel_loop3A_86 : i32 to index
      %parallel_loop3A_91 = tpu.vector_load %arg8[%parallel_loop3A_90] {strides = array<i32>} : memref<1024xf32, #tpu.memory_space<vmem>>, vector<16xf32>,
      %parallel_loop3A_92 = vector.shape_cast %parallel_loop3A_91 : vector<16xf32> to vector<16xf32>
      %parallel_loop3A_93 = vector.shape_cast %parallel_loop3A_89 : vector<16xf32> to vector<16xf32>
      tpu.vector_store %arg8[%parallel_loop3A_90], %parallel_loop3A_93 {strides = array<i32>} : memref<1024xf32, #tpu.memory_space<vmem>>, vector<16xf32>,
      %parallel_loop3A_94 = arith.divf %parallel_loop3A_81, %parallel_loop3A_84 : vector<16xf32>
      %parallel_loop3A_95 = arith.index_cast %parallel_loop3A_86 : i32 to index
      %parallel_loop3A_96 = tpu.vector_load %arg9[%parallel_loop3A_95] {strides = array<i32>} : memref<1024xf32, #tpu.memory_space<vmem>>, vector<16xf32>,
      %parallel_loop3A_97 = vector.shape_cast %parallel_loop3A_96 : vector<16xf32> to vector<16xf32>
      %parallel_loop3A_98 = vector.shape_cast %parallel_loop3A_94 : vector<16xf32> to vector<16xf32>
      tpu.vector_store %arg9[%parallel_loop3A_95], %parallel_loop3A_98 {strides = array<i32>} : memref<1024xf32, #tpu.memory_space<vmem>>, vector<16xf32>,
      %parallel_loop3A_99 = arith.index_cast %parallel_loop3A_86 : i32 to index
      %parallel_loop3A_100 = tpu.vector_load %arg10[%parallel_loop3A_99] {strides = array<i32>} : memref<1024xi32, #tpu.memory_space<vmem>>, vector<16xi32>,
      %parallel_loop3A_101 = vector.shape_cast %parallel_loop3A_100 : vector<16xi32> to vector<16xi32>
      %parallel_loop3A_102 = vector.shape_cast %parallel_loop3A_78#1 : vector<16xi32> to vector<16xi32>
      tpu.vector_store %arg10[%parallel_loop3A_99], %parallel_loop3A_102 {strides = array<i32>} : memref<1024xi32, #tpu.memory_space<vmem>>, vector<16xi32>,
      %parallel_loop3A_103 = arith.index_cast %parallel_loop3A_86 : i32 to index
      %parallel_loop3A_104 = tpu.vector_load %arg11[%parallel_loop3A_103] {strides = array<i32>} : memref<1024xi32, #tpu.memory_space<vmem>>, vector<16xi32>,
      %parallel_loop3A_105 = vector.shape_cast %parallel_loop3A_104 : vector<16xi32> to vector<16xi32>
      %parallel_loop3A_106 = vector.shape_cast %parallel_loop3A_78#3 : vector<16xi32> to vector<16xi32>
      tpu.vector_store %arg11[%parallel_loop3A_103], %parallel_loop3A_106 {strides = array<i32>} : memref<1024xi32, #tpu.memory_space<vmem>>, vector<16xi32>,
      %parallel_loop3A_107 = arith.subf %parallel_loop3A_78#6, %parallel_loop3A_78#4 : vector<16xf32>
      %parallel_loop3A_108 = math.exp %parallel_loop3A_107 : vector<16xf32>
      %parallel_loop3A_109 = arith.constant 1.000000e+00 : f32
      %parallel_loop3A_110 = vector.broadcast %parallel_loop3A_109 : f32 to vector<16xf32>
      %parallel_loop3A_111 = arith.addf %parallel_loop3A_110, %parallel_loop3A_108 : vector<16xf32>
      %parallel_loop3A_112 = arith.constant 16 : i32
      %parallel_loop3A_113 = arith.addi %parallel_loop3A_9, %parallel_loop3A_112 : i32
      %parallel_loop3A_114 = arith.constant 1.000000e+00 : f32
      %parallel_loop3A_115 = vector.broadcast %parallel_loop3A_114 : f32 to vector<16xf32>
      %parallel_loop3A_116 = arith.divf %parallel_loop3A_115, %parallel_loop3A_111 : vector<16xf32>
      %parallel_loop3A_117 = arith.index_cast %parallel_loop3A_113 : i32 to index
      %parallel_loop3A_118 = tpu.vector_load %arg8[%parallel_loop3A_117] {strides = array<i32>} : memref<1024xf32, #tpu.memory_space<vmem>>, vector<16xf32>,
      %parallel_loop3A_119 = vector.shape_cast %parallel_loop3A_118 : vector<16xf32> to vector<16xf32>
      %parallel_loop3A_120 = vector.shape_cast %parallel_loop3A_116 : vector<16xf32> to vector<16xf32>
      tpu.vector_store %arg8[%parallel_loop3A_117], %parallel_loop3A_120 {strides = array<i32>} : memref<1024xf32, #tpu.memory_space<vmem>>, vector<16xf32>,
      %parallel_loop3A_121 = arith.divf %parallel_loop3A_108, %parallel_loop3A_111 : vector<16xf32>
      %parallel_loop3A_122 = arith.index_cast %parallel_loop3A_113 : i32 to index
      %parallel_loop3A_123 = tpu.vector_load %arg9[%parallel_loop3A_122] {strides = array<i32>} : memref<1024xf32, #tpu.memory_space<vmem>>, vector<16xf32>,
      %parallel_loop3A_124 = vector.shape_cast %parallel_loop3A_123 : vector<16xf32> to vector<16xf32>
      %parallel_loop3A_125 = vector.shape_cast %parallel_loop3A_121 : vector<16xf32> to vector<16xf32>
      tpu.vector_store %arg9[%parallel_loop3A_122], %parallel_loop3A_125 {strides = array<i32>} : memref<1024xf32, #tpu.memory_space<vmem>>, vector<16xf32>,
      %parallel_loop3A_126 = arith.index_cast %parallel_loop3A_113 : i32 to index
      %parallel_loop3A_127 = tpu.vector_load %arg10[%parallel_loop3A_126] {strides = array<i32>} : memref<1024xi32, #tpu.memory_space<vmem>>, vector<16xi32>,
      %parallel_loop3A_128 = vector.shape_cast %parallel_loop3A_127 : vector<16xi32> to vector<16xi32>
      %parallel_loop3A_129 = vector.shape_cast %parallel_loop3A_78#5 : vector<16xi32> to vector<16xi32>
      tpu.vector_store %arg10[%parallel_loop3A_126], %parallel_loop3A_129 {strides = array<i32>} : memref<1024xi32, #tpu.memory_space<vmem>>, vector<16xi32>,
      %parallel_loop3A_130 = arith.index_cast %parallel_loop3A_113 : i32 to index
      %parallel_loop3A_131 = tpu.vector_load %arg11[%parallel_loop3A_130] {strides = array<i32>} : memref<1024xi32, #tpu.memory_space<vmem>>, vector<16xi32>,
      %parallel_loop3A_132 = vector.shape_cast %parallel_loop3A_131 : vector<16xi32> to vector<16xi32>
      %parallel_loop3A_133 = vector.shape_cast %parallel_loop3A_78#7 : vector<16xi32> to vector<16xi32>
      tpu.vector_store %arg11[%parallel_loop3A_130], %parallel_loop3A_133 {strides = array<i32>} : memref<1024xi32, #tpu.memory_space<vmem>>, vector<16xi32>,
      %parallel_loop3A_134 = arith.subf %parallel_loop3A_78#10, %parallel_loop3A_78#8 : vector<16xf32>
      %parallel_loop3A_135 = math.exp %parallel_loop3A_134 : vector<16xf32>
      %parallel_loop3A_136 = arith.constant 1.000000e+00 : f32
      %parallel_loop3A_137 = vector.broadcast %parallel_loop3A_136 : f32 to vector<16xf32>
      %parallel_loop3A_138 = arith.addf %parallel_loop3A_137, %parallel_loop3A_135 : vector<16xf32>
      %parallel_loop3A_139 = arith.constant 32 : i32
      %parallel_loop3A_140 = arith.addi %parallel_loop3A_9, %parallel_loop3A_139 : i32
      %parallel_loop3A_141 = arith.constant 1.000000e+00 : f32
      %parallel_loop3A_142 = vector.broadcast %parallel_loop3A_141 : f32 to vector<16xf32>
      %parallel_loop3A_143 = arith.divf %parallel_loop3A_142, %parallel_loop3A_138 : vector<16xf32>
      %parallel_loop3A_144 = arith.index_cast %parallel_loop3A_140 : i32 to index
      %parallel_loop3A_145 = tpu.vector_load %arg8[%parallel_loop3A_144] {strides = array<i32>} : memref<1024xf32, #tpu.memory_space<vmem>>, vector<16xf32>,
      %parallel_loop3A_146 = vector.shape_cast %parallel_loop3A_145 : vector<16xf32> to vector<16xf32>
      %parallel_loop3A_147 = vector.shape_cast %parallel_loop3A_143 : vector<16xf32> to vector<16xf32>
      tpu.vector_store %arg8[%parallel_loop3A_144], %parallel_loop3A_147 {strides = array<i32>} : memref<1024xf32, #tpu.memory_space<vmem>>, vector<16xf32>,
      %parallel_loop3A_148 = arith.divf %parallel_loop3A_135, %parallel_loop3A_138 : vector<16xf32>
      %parallel_loop3A_149 = arith.index_cast %parallel_loop3A_140 : i32 to index
      %parallel_loop3A_150 = tpu.vector_load %arg9[%parallel_loop3A_149] {strides = array<i32>} : memref<1024xf32, #tpu.memory_space<vmem>>, vector<16xf32>,
      %parallel_loop3A_151 = vector.shape_cast %parallel_loop3A_150 : vector<16xf32> to vector<16xf32>
      %parallel_loop3A_152 = vector.shape_cast %parallel_loop3A_148 : vector<16xf32> to vector<16xf32>
      tpu.vector_store %arg9[%parallel_loop3A_149], %parallel_loop3A_152 {strides = array<i32>} : memref<1024xf32, #tpu.memory_space<vmem>>, vector<16xf32>,
      %parallel_loop3A_153 = arith.index_cast %parallel_loop3A_140 : i32 to index
      %parallel_loop3A_154 = tpu.vector_load %arg10[%parallel_loop3A_153] {strides = array<i32>} : memref<1024xi32, #tpu.memory_space<vmem>>, vector<16xi32>,
      %parallel_loop3A_155 = vector.shape_cast %parallel_loop3A_154 : vector<16xi32> to vector<16xi32>
      %parallel_loop3A_156 = vector.shape_cast %parallel_loop3A_78#9 : vector<16xi32> to vector<16xi32>
      tpu.vector_store %arg10[%parallel_loop3A_153], %parallel_loop3A_156 {strides = array<i32>} : memref<1024xi32, #tpu.memory_space<vmem>>, vector<16xi32>,
      %parallel_loop3A_157 = arith.index_cast %parallel_loop3A_140 : i32 to index
      %parallel_loop3A_158 = tpu.vector_load %arg11[%parallel_loop3A_157] {strides = array<i32>} : memref<1024xi32, #tpu.memory_space<vmem>>, vector<16xi32>,
      %parallel_loop3A_159 = vector.shape_cast %parallel_loop3A_158 : vector<16xi32> to vector<16xi32>
      %parallel_loop3A_160 = vector.shape_cast %parallel_loop3A_78#11 : vector<16xi32> to vector<16xi32>
      tpu.vector_store %arg11[%parallel_loop3A_157], %parallel_loop3A_160 {strides = array<i32>} : memref<1024xi32, #tpu.memory_space<vmem>>, vector<16xi32>,
      %parallel_loop3A_161 = arith.subf %parallel_loop3A_78#14, %parallel_loop3A_78#12 : vector<16xf32>
      %parallel_loop3A_162 = math.exp %parallel_loop3A_161 : vector<16xf32>
      %parallel_loop3A_163 = arith.constant 1.000000e+00 : f32
      %parallel_loop3A_164 = vector.broadcast %parallel_loop3A_163 : f32 to vector<16xf32>
      %parallel_loop3A_165 = arith.addf %parallel_loop3A_164, %parallel_loop3A_162 : vector<16xf32>
      %parallel_loop3A_166 = arith.constant 48 : i32
      %parallel_loop3A_167 = arith.addi %parallel_loop3A_9, %parallel_loop3A_166 : i32
      %parallel_loop3A_168 = arith.constant 1.000000e+00 : f32
      %parallel_loop3A_169 = vector.broadcast %parallel_loop3A_168 : f32 to vector<16xf32>
      %parallel_loop3A_170 = arith.divf %parallel_loop3A_169, %parallel_loop3A_165 : vector<16xf32>
      %parallel_loop3A_171 = arith.index_cast %parallel_loop3A_167 : i32 to index
      %parallel_loop3A_172 = tpu.vector_load %arg8[%parallel_loop3A_171] {strides = array<i32>} : memref<1024xf32, #tpu.memory_space<vmem>>, vector<16xf32>,
      %parallel_loop3A_173 = vector.shape_cast %parallel_loop3A_172 : vector<16xf32> to vector<16xf32>
      %parallel_loop3A_174 = vector.shape_cast %parallel_loop3A_170 : vector<16xf32> to vector<16xf32>
      tpu.vector_store %arg8[%parallel_loop3A_171], %parallel_loop3A_174 {strides = array<i32>} : memref<1024xf32, #tpu.memory_space<vmem>>, vector<16xf32>,
      %parallel_loop3A_175 = arith.divf %parallel_loop3A_162, %parallel_loop3A_165 : vector<16xf32>
      %parallel_loop3A_176 = arith.index_cast %parallel_loop3A_167 : i32 to index
      %parallel_loop3A_177 = tpu.vector_load %arg9[%parallel_loop3A_176] {strides = array<i32>} : memref<1024xf32, #tpu.memory_space<vmem>>, vector<16xf32>,
      %parallel_loop3A_178 = vector.shape_cast %parallel_loop3A_177 : vector<16xf32> to vector<16xf32>
      %parallel_loop3A_179 = vector.shape_cast %parallel_loop3A_175 : vector<16xf32> to vector<16xf32>
      tpu.vector_store %arg9[%parallel_loop3A_176], %parallel_loop3A_179 {strides = array<i32>} : memref<1024xf32, #tpu.memory_space<vmem>>, vector<16xf32>,
      %parallel_loop3A_180 = arith.index_cast %parallel_loop3A_167 : i32 to index
      %parallel_loop3A_181 = tpu.vector_load %arg10[%parallel_loop3A_180] {strides = array<i32>} : memref<1024xi32, #tpu.memory_space<vmem>>, vector<16xi32>,
      %parallel_loop3A_182 = vector.shape_cast %parallel_loop3A_181 : vector<16xi32> to vector<16xi32>
      %parallel_loop3A_183 = vector.shape_cast %parallel_loop3A_78#13 : vector<16xi32> to vector<16xi32>
      tpu.vector_store %arg10[%parallel_loop3A_180], %parallel_loop3A_183 {strides = array<i32>} : memref<1024xi32, #tpu.memory_space<vmem>>, vector<16xi32>,
      %parallel_loop3A_184 = arith.index_cast %parallel_loop3A_167 : i32 to index
      %parallel_loop3A_185 = tpu.vector_load %arg11[%parallel_loop3A_184] {strides = array<i32>} : memref<1024xi32, #tpu.memory_space<vmem>>, vector<16xi32>,
      %parallel_loop3A_186 = vector.shape_cast %parallel_loop3A_185 : vector<16xi32> to vector<16xi32>
      %parallel_loop3A_187 = vector.shape_cast %parallel_loop3A_78#15 : vector<16xi32> to vector<16xi32>
      tpu.vector_store %arg11[%parallel_loop3A_184], %parallel_loop3A_187 {strides = array<i32>} : memref<1024xi32, #tpu.memory_space<vmem>>, vector<16xi32>,
      %parallel_loop3A_188 = arith.subf %parallel_loop3A_78#18, %parallel_loop3A_78#16 : vector<16xf32>
      %parallel_loop3A_189 = math.exp %parallel_loop3A_188 : vector<16xf32>
      %parallel_loop3A_190 = arith.constant 1.000000e+00 : f32
      %parallel_loop3A_191 = vector.broadcast %parallel_loop3A_190 : f32 to vector<16xf32>
      %parallel_loop3A_192 = arith.addf %parallel_loop3A_191, %parallel_loop3A_189 : vector<16xf32>
      %parallel_loop3A_193 = arith.constant 64 : i32
      %parallel_loop3A_194 = arith.addi %parallel_loop3A_9, %parallel_loop3A_193 : i32
      %parallel_loop3A_195 = arith.constant 1.000000e+00 : f32
      %parallel_loop3A_196 = vector.broadcast %parallel_loop3A_195 : f32 to vector<16xf32>
      %parallel_loop3A_197 = arith.divf %parallel_loop3A_196, %parallel_loop3A_192 : vector<16xf32>
      %parallel_loop3A_198 = arith.index_cast %parallel_loop3A_194 : i32 to index
      %parallel_loop3A_199 = tpu.vector_load %arg8[%parallel_loop3A_198] {strides = array<i32>} : memref<1024xf32, #tpu.memory_space<vmem>>, vector<16xf32>,
      %parallel_loop3A_200 = vector.shape_cast %parallel_loop3A_199 : vector<16xf32> to vector<16xf32>
      %parallel_loop3A_201 = vector.shape_cast %parallel_loop3A_197 : vector<16xf32> to vector<16xf32>
      tpu.vector_store %arg8[%parallel_loop3A_198], %parallel_loop3A_201 {strides = array<i32>} : memref<1024xf32, #tpu.memory_space<vmem>>, vector<16xf32>,
      %parallel_loop3A_202 = arith.divf %parallel_loop3A_189, %parallel_loop3A_192 : vector<16xf32>
      %parallel_loop3A_203 = arith.index_cast %parallel_loop3A_194 : i32 to index
      %parallel_loop3A_204 = tpu.vector_load %arg9[%parallel_loop3A_203] {strides = array<i32>} : memref<1024xf32, #tpu.memory_space<vmem>>, vector<16xf32>,
      %parallel_loop3A_205 = vector.shape_cast %parallel_loop3A_204 : vector<16xf32> to vector<16xf32>
      %parallel_loop3A_206 = vector.shape_cast %parallel_loop3A_202 : vector<16xf32> to vector<16xf32>
      tpu.vector_store %arg9[%parallel_loop3A_203], %parallel_loop3A_206 {strides = array<i32>} : memref<1024xf32, #tpu.memory_space<vmem>>, vector<16xf32>,
      %parallel_loop3A_207 = arith.index_cast %parallel_loop3A_194 : i32 to index
      %parallel_loop3A_208 = tpu.vector_load %arg10[%parallel_loop3A_207] {strides = array<i32>} : memref<1024xi32, #tpu.memory_space<vmem>>, vector<16xi32>,
      %parallel_loop3A_209 = vector.shape_cast %parallel_loop3A_208 : vector<16xi32> to vector<16xi32>
      %parallel_loop3A_210 = vector.shape_cast %parallel_loop3A_78#17 : vector<16xi32> to vector<16xi32>
      tpu.vector_store %arg10[%parallel_loop3A_207], %parallel_loop3A_210 {strides = array<i32>} : memref<1024xi32, #tpu.memory_space<vmem>>, vector<16xi32>,
      %parallel_loop3A_211 = arith.index_cast %parallel_loop3A_194 : i32 to index
      %parallel_loop3A_212 = tpu.vector_load %arg11[%parallel_loop3A_211] {strides = array<i32>} : memref<1024xi32, #tpu.memory_space<vmem>>, vector<16xi32>,
      %parallel_loop3A_213 = vector.shape_cast %parallel_loop3A_212 : vector<16xi32> to vector<16xi32>
      %parallel_loop3A_214 = vector.shape_cast %parallel_loop3A_78#19 : vector<16xi32> to vector<16xi32>
      tpu.vector_store %arg11[%parallel_loop3A_211], %parallel_loop3A_214 {strides = array<i32>} : memref<1024xi32, #tpu.memory_space<vmem>>, vector<16xi32>,
      %parallel_loop3A_215 = arith.subf %parallel_loop3A_78#22, %parallel_loop3A_78#20 : vector<16xf32>
      %parallel_loop3A_216 = math.exp %parallel_loop3A_215 : vector<16xf32>
      %parallel_loop3A_217 = arith.constant 1.000000e+00 : f32
      %parallel_loop3A_218 = vector.broadcast %parallel_loop3A_217 : f32 to vector<16xf32>
      %parallel_loop3A_219 = arith.addf %parallel_loop3A_218, %parallel_loop3A_216 : vector<16xf32>
      %parallel_loop3A_220 = arith.constant 80 : i32
      %parallel_loop3A_221 = arith.addi %parallel_loop3A_9, %parallel_loop3A_220 : i32
      %parallel_loop3A_222 = arith.constant 1.000000e+00 : f32
      %parallel_loop3A_223 = vector.broadcast %parallel_loop3A_222 : f32 to vector<16xf32>
      %parallel_loop3A_224 = arith.divf %parallel_loop3A_223, %parallel_loop3A_219 : vector<16xf32>
      %parallel_loop3A_225 = arith.index_cast %parallel_loop3A_221 : i32 to index
      %parallel_loop3A_226 = tpu.vector_load %arg8[%parallel_loop3A_225] {strides = array<i32>} : memref<1024xf32, #tpu.memory_space<vmem>>, vector<16xf32>,
      %parallel_loop3A_227 = vector.shape_cast %parallel_loop3A_226 : vector<16xf32> to vector<16xf32>
      %parallel_loop3A_228 = vector.shape_cast %parallel_loop3A_224 : vector<16xf32> to vector<16xf32>
      tpu.vector_store %arg8[%parallel_loop3A_225], %parallel_loop3A_228 {strides = array<i32>} : memref<1024xf32, #tpu.memory_space<vmem>>, vector<16xf32>,
      %parallel_loop3A_229 = arith.divf %parallel_loop3A_216, %parallel_loop3A_219 : vector<16xf32>
      %parallel_loop3A_230 = arith.index_cast %parallel_loop3A_221 : i32 to index
      %parallel_loop3A_231 = tpu.vector_load %arg9[%parallel_loop3A_230] {strides = array<i32>} : memref<1024xf32, #tpu.memory_space<vmem>>, vector<16xf32>,
      %parallel_loop3A_232 = vector.shape_cast %parallel_loop3A_231 : vector<16xf32> to vector<16xf32>
      %parallel_loop3A_233 = vector.shape_cast %parallel_loop3A_229 : vector<16xf32> to vector<16xf32>
      tpu.vector_store %arg9[%parallel_loop3A_230], %parallel_loop3A_233 {strides = array<i32>} : memref<1024xf32, #tpu.memory_space<vmem>>, vector<16xf32>,
      %parallel_loop3A_234 = arith.index_cast %parallel_loop3A_221 : i32 to index
      %parallel_loop3A_235 = tpu.vector_load %arg10[%parallel_loop3A_234] {strides = array<i32>} : memref<1024xi32, #tpu.memory_space<vmem>>, vector<16xi32>,
      %parallel_loop3A_236 = vector.shape_cast %parallel_loop3A_235 : vector<16xi32> to vector<16xi32>
      %parallel_loop3A_237 = vector.shape_cast %parallel_loop3A_78#21 : vector<16xi32> to vector<16xi32>
      tpu.vector_store %arg10[%parallel_loop3A_234], %parallel_loop3A_237 {strides = array<i32>} : memref<1024xi32, #tpu.memory_space<vmem>>, vector<16xi32>,
      %parallel_loop3A_238 = arith.index_cast %parallel_loop3A_221 : i32 to index
      %parallel_loop3A_239 = tpu.vector_load %arg11[%parallel_loop3A_238] {strides = array<i32>} : memref<1024xi32, #tpu.memory_space<vmem>>, vector<16xi32>,
      %parallel_loop3A_240 = vector.shape_cast %parallel_loop3A_239 : vector<16xi32> to vector<16xi32>
      %parallel_loop3A_241 = vector.shape_cast %parallel_loop3A_78#23 : vector<16xi32> to vector<16xi32>
      tpu.vector_store %arg11[%parallel_loop3A_238], %parallel_loop3A_241 {strides = array<i32>} : memref<1024xi32, #tpu.memory_space<vmem>>, vector<16xi32>,
      %parallel_loop3A_242 = arith.subf %parallel_loop3A_78#26, %parallel_loop3A_78#24 : vector<16xf32>
      %parallel_loop3A_243 = math.exp %parallel_loop3A_242 : vector<16xf32>
      %parallel_loop3A_244 = arith.constant 1.000000e+00 : f32
      %parallel_loop3A_245 = vector.broadcast %parallel_loop3A_244 : f32 to vector<16xf32>
      %parallel_loop3A_246 = arith.addf %parallel_loop3A_245, %parallel_loop3A_243 : vector<16xf32>
      %parallel_loop3A_247 = arith.constant 96 : i32
      %parallel_loop3A_248 = arith.addi %parallel_loop3A_9, %parallel_loop3A_247 : i32
      %parallel_loop3A_249 = arith.constant 1.000000e+00 : f32
      %parallel_loop3A_250 = vector.broadcast %parallel_loop3A_249 : f32 to vector<16xf32>
      %parallel_loop3A_251 = arith.divf %parallel_loop3A_250, %parallel_loop3A_246 : vector<16xf32>
      %parallel_loop3A_252 = arith.index_cast %parallel_loop3A_248 : i32 to index
      %parallel_loop3A_253 = tpu.vector_load %arg8[%parallel_loop3A_252] {strides = array<i32>} : memref<1024xf32, #tpu.memory_space<vmem>>, vector<16xf32>,
      %parallel_loop3A_254 = vector.shape_cast %parallel_loop3A_253 : vector<16xf32> to vector<16xf32>
      %parallel_loop3A_255 = vector.shape_cast %parallel_loop3A_251 : vector<16xf32> to vector<16xf32>
      tpu.vector_store %arg8[%parallel_loop3A_252], %parallel_loop3A_255 {strides = array<i32>} : memref<1024xf32, #tpu.memory_space<vmem>>, vector<16xf32>,
      %parallel_loop3A_256 = arith.divf %parallel_loop3A_243, %parallel_loop3A_246 : vector<16xf32>
      %parallel_loop3A_257 = arith.index_cast %parallel_loop3A_248 : i32 to index
      %parallel_loop3A_258 = tpu.vector_load %arg9[%parallel_loop3A_257] {strides = array<i32>} : memref<1024xf32, #tpu.memory_space<vmem>>, vector<16xf32>,
      %parallel_loop3A_259 = vector.shape_cast %parallel_loop3A_258 : vector<16xf32> to vector<16xf32>
      %parallel_loop3A_260 = vector.shape_cast %parallel_loop3A_256 : vector<16xf32> to vector<16xf32>
      tpu.vector_store %arg9[%parallel_loop3A_257], %parallel_loop3A_260 {strides = array<i32>} : memref<1024xf32, #tpu.memory_space<vmem>>, vector<16xf32>,
      %parallel_loop3A_261 = arith.index_cast %parallel_loop3A_248 : i32 to index
      %parallel_loop3A_262 = tpu.vector_load %arg10[%parallel_loop3A_261] {strides = array<i32>} : memref<1024xi32, #tpu.memory_space<vmem>>, vector<16xi32>,
      %parallel_loop3A_263 = vector.shape_cast %parallel_loop3A_262 : vector<16xi32> to vector<16xi32>
      %parallel_loop3A_264 = vector.shape_cast %parallel_loop3A_78#25 : vector<16xi32> to vector<16xi32>
      tpu.vector_store %arg10[%parallel_loop3A_261], %parallel_loop3A_264 {strides = array<i32>} : memref<1024xi32, #tpu.memory_space<vmem>>, vector<16xi32>,
      %parallel_loop3A_265 = arith.index_cast %parallel_loop3A_248 : i32 to index
      %parallel_loop3A_266 = tpu.vector_load %arg11[%parallel_loop3A_265] {strides = array<i32>} : memref<1024xi32, #tpu.memory_space<vmem>>, vector<16xi32>,
      %parallel_loop3A_267 = vector.shape_cast %parallel_loop3A_266 : vector<16xi32> to vector<16xi32>
      %parallel_loop3A_268 = vector.shape_cast %parallel_loop3A_78#27 : vector<16xi32> to vector<16xi32>
      tpu.vector_store %arg11[%parallel_loop3A_265], %parallel_loop3A_268 {strides = array<i32>} : memref<1024xi32, #tpu.memory_space<vmem>>, vector<16xi32>,
      %parallel_loop3A_269 = arith.subf %parallel_loop3A_78#30, %parallel_loop3A_78#28 : vector<16xf32>
      %parallel_loop3A_270 = math.exp %parallel_loop3A_269 : vector<16xf32>
      %parallel_loop3A_271 = arith.constant 1.000000e+00 : f32
      %parallel_loop3A_272 = vector.broadcast %parallel_loop3A_271 : f32 to vector<16xf32>
      %parallel_loop3A_273 = arith.addf %parallel_loop3A_272, %parallel_loop3A_270 : vector<16xf32>
      %parallel_loop3A_274 = arith.constant 112 : i32
      %parallel_loop3A_275 = arith.addi %parallel_loop3A_9, %parallel_loop3A_274 : i32
      %parallel_loop3A_276 = arith.constant 1.000000e+00 : f32
      %parallel_loop3A_277 = vector.broadcast %parallel_loop3A_276 : f32 to vector<16xf32>
      %parallel_loop3A_278 = arith.divf %parallel_loop3A_277, %parallel_loop3A_273 : vector<16xf32>
      %parallel_loop3A_279 = arith.index_cast %parallel_loop3A_275 : i32 to index
      %parallel_loop3A_280 = tpu.vector_load %arg8[%parallel_loop3A_279] {strides = array<i32>} : memref<1024xf32, #tpu.memory_space<vmem>>, vector<16xf32>,
      %parallel_loop3A_281 = vector.shape_cast %parallel_loop3A_280 : vector<16xf32> to vector<16xf32>
      %parallel_loop3A_282 = vector.shape_cast %parallel_loop3A_278 : vector<16xf32> to vector<16xf32>
      tpu.vector_store %arg8[%parallel_loop3A_279], %parallel_loop3A_282 {strides = array<i32>} : memref<1024xf32, #tpu.memory_space<vmem>>, vector<16xf32>,
      %parallel_loop3A_283 = arith.divf %parallel_loop3A_270, %parallel_loop3A_273 : vector<16xf32>
      %parallel_loop3A_284 = arith.index_cast %parallel_loop3A_275 : i32 to index
      %parallel_loop3A_285 = tpu.vector_load %arg9[%parallel_loop3A_284] {strides = array<i32>} : memref<1024xf32, #tpu.memory_space<vmem>>, vector<16xf32>,
      %parallel_loop3A_286 = vector.shape_cast %parallel_loop3A_285 : vector<16xf32> to vector<16xf32>
      %parallel_loop3A_287 = vector.shape_cast %parallel_loop3A_283 : vector<16xf32> to vector<16xf32>
      tpu.vector_store %arg9[%parallel_loop3A_284], %parallel_loop3A_287 {strides = array<i32>} : memref<1024xf32, #tpu.memory_space<vmem>>, vector<16xf32>,
      %parallel_loop3A_288 = arith.index_cast %parallel_loop3A_275 : i32 to index
      %parallel_loop3A_289 = tpu.vector_load %arg10[%parallel_loop3A_288] {strides = array<i32>} : memref<1024xi32, #tpu.memory_space<vmem>>, vector<16xi32>,
      %parallel_loop3A_290 = vector.shape_cast %parallel_loop3A_289 : vector<16xi32> to vector<16xi32>
      %parallel_loop3A_291 = vector.shape_cast %parallel_loop3A_78#29 : vector<16xi32> to vector<16xi32>
      tpu.vector_store %arg10[%parallel_loop3A_288], %parallel_loop3A_291 {strides = array<i32>} : memref<1024xi32, #tpu.memory_space<vmem>>, vector<16xi32>,
      %parallel_loop3A_292 = arith.index_cast %parallel_loop3A_275 : i32 to index
      %parallel_loop3A_293 = tpu.vector_load %arg11[%parallel_loop3A_292] {strides = array<i32>} : memref<1024xi32, #tpu.memory_space<vmem>>, vector<16xi32>,
      %parallel_loop3A_294 = vector.shape_cast %parallel_loop3A_293 : vector<16xi32> to vector<16xi32>
      %parallel_loop3A_295 = vector.shape_cast %parallel_loop3A_78#31 : vector<16xi32> to vector<16xi32>
      tpu.vector_store %arg11[%parallel_loop3A_292], %parallel_loop3A_295 {strides = array<i32>} : memref<1024xi32, #tpu.memory_space<vmem>>, vector<16xi32>,
    } {sc.loop_unroll_factor = 1 : i64, sc.parallel_access}
    "tpu.region"() ({
      %run_scoped3A = tpu.sem_alloc : memref<!tpu.dma_semaphore, #tpu.memory_space<semaphore_mem>>
      %dma_start3A = tpu.memref_slice %arg3[%mul3A_2] : memref<32768xf32, #tpu.memory_space<hbm>> -> memref<1024xf32, #tpu.memory_space<hbm>>
      %dma_start3A_7 = tpu.memref_slice %arg3[%mul3A_2] : memref<32768xf32, #tpu.memory_space<hbm>> -> memref<1024xf32, #tpu.memory_space<hbm>>
      tpu.enqueue_dma source(%arg8 : memref<1024xf32, #tpu.memory_space<vmem>>) target(%dma_start3A_7 : memref<1024xf32, #tpu.memory_space<hbm>>) target_semaphore(%run_scoped3A : memref<!tpu.dma_semaphore, #tpu.memory_space<semaphore_mem>>)
      %dma_wait3A = tpu.memref_slice %arg3[%mul3A_2] : memref<32768xf32, #tpu.memory_space<hbm>> -> memref<1024xf32, #tpu.memory_space<hbm>>
      %dma_wait3A_8 = tpu.memref_slice %arg3[%mul3A_2] : memref<32768xf32, #tpu.memory_space<hbm>> -> memref<1024xf32, #tpu.memory_space<hbm>>
      tpu.wait_dma2 semaphore(%run_scoped3A : memref<!tpu.dma_semaphore, #tpu.memory_space<semaphore_mem>>) src(%arg8 : memref<1024xf32, #tpu.memory_space<vmem>>) dst(%dma_wait3A_8 : memref<1024xf32, #tpu.memory_space<hbm>>)
      tpu.yield
    }) : () -> ()
    "tpu.region"() ({
      %run_scoped3A = tpu.sem_alloc : memref<!tpu.dma_semaphore, #tpu.memory_space<semaphore_mem>>
      %dma_start3A = tpu.memref_slice %arg4[%mul3A_2] : memref<32768xf32, #tpu.memory_space<hbm>> -> memref<1024xf32, #tpu.memory_space<hbm>>
      %dma_start3A_7 = tpu.memref_slice %arg4[%mul3A_2] : memref<32768xf32, #tpu.memory_space<hbm>> -> memref<1024xf32, #tpu.memory_space<hbm>>
      tpu.enqueue_dma source(%arg9 : memref<1024xf32, #tpu.memory_space<vmem>>) target(%dma_start3A_7 : memref<1024xf32, #tpu.memory_space<hbm>>) target_semaphore(%run_scoped3A : memref<!tpu.dma_semaphore, #tpu.memory_space<semaphore_mem>>)
      %dma_wait3A = tpu.memref_slice %arg4[%mul3A_2] : memref<32768xf32, #tpu.memory_space<hbm>> -> memref<1024xf32, #tpu.memory_space<hbm>>
      %dma_wait3A_8 = tpu.memref_slice %arg4[%mul3A_2] : memref<32768xf32, #tpu.memory_space<hbm>> -> memref<1024xf32, #tpu.memory_space<hbm>>
      tpu.wait_dma2 semaphore(%run_scoped3A : memref<!tpu.dma_semaphore, #tpu.memory_space<semaphore_mem>>) src(%arg9 : memref<1024xf32, #tpu.memory_space<vmem>>) dst(%dma_wait3A_8 : memref<1024xf32, #tpu.memory_space<hbm>>)
      tpu.yield
    }) : () -> ()
    "tpu.region"() ({
      %run_scoped3A = tpu.sem_alloc : memref<!tpu.dma_semaphore, #tpu.memory_space<semaphore_mem>>
      %dma_start3A = tpu.memref_slice %arg5[%mul3A_2] : memref<32768xi32, #tpu.memory_space<hbm>> -> memref<1024xi32, #tpu.memory_space<hbm>>
      %dma_start3A_7 = tpu.memref_slice %arg5[%mul3A_2] : memref<32768xi32, #tpu.memory_space<hbm>> -> memref<1024xi32, #tpu.memory_space<hbm>>
      tpu.enqueue_dma source(%arg10 : memref<1024xi32, #tpu.memory_space<vmem>>) target(%dma_start3A_7 : memref<1024xi32, #tpu.memory_space<hbm>>) target_semaphore(%run_scoped3A : memref<!tpu.dma_semaphore, #tpu.memory_space<semaphore_mem>>)
      %dma_wait3A = tpu.memref_slice %arg5[%mul3A_2] : memref<32768xi32, #tpu.memory_space<hbm>> -> memref<1024xi32, #tpu.memory_space<hbm>>
      %dma_wait3A_8 = tpu.memref_slice %arg5[%mul3A_2] : memref<32768xi32, #tpu.memory_space<hbm>> -> memref<1024xi32, #tpu.memory_space<hbm>>
      tpu.wait_dma2 semaphore(%run_scoped3A : memref<!tpu.dma_semaphore, #tpu.memory_space<semaphore_mem>>) src(%arg10 : memref<1024xi32, #tpu.memory_space<vmem>>) dst(%dma_wait3A_8 : memref<1024xi32, #tpu.memory_space<hbm>>)
      tpu.yield
    }) : () -> ()
    "tpu.region"() ({
      %run_scoped3A = tpu.sem_alloc : memref<!tpu.dma_semaphore, #tpu.memory_space<semaphore_mem>>
      %dma_start3A = tpu.memref_slice %arg6[%mul3A_2] : memref<32768xi32, #tpu.memory_space<hbm>> -> memref<1024xi32, #tpu.memory_space<hbm>>
      %dma_start3A_7 = tpu.memref_slice %arg6[%mul3A_2] : memref<32768xi32, #tpu.memory_space<hbm>> -> memref<1024xi32, #tpu.memory_space<hbm>>
      tpu.enqueue_dma source(%arg11 : memref<1024xi32, #tpu.memory_space<vmem>>) target(%dma_start3A_7 : memref<1024xi32, #tpu.memory_space<hbm>>) target_semaphore(%run_scoped3A : memref<!tpu.dma_semaphore, #tpu.memory_space<semaphore_mem>>)
      %dma_wait3A = tpu.memref_slice %arg6[%mul3A_2] : memref<32768xi32, #tpu.memory_space<hbm>> -> memref<1024xi32, #tpu.memory_space<hbm>>
      %dma_wait3A_8 = tpu.memref_slice %arg6[%mul3A_2] : memref<32768xi32, #tpu.memory_space<hbm>> -> memref<1024xi32, #tpu.memory_space<hbm>>
      tpu.wait_dma2 semaphore(%run_scoped3A : memref<!tpu.dma_semaphore, #tpu.memory_space<semaphore_mem>>) src(%arg11 : memref<1024xi32, #tpu.memory_space<vmem>>) dst(%dma_wait3A_8 : memref<1024xi32, #tpu.memory_space<hbm>>)
      tpu.yield
    }) : () -> ()
    return
  }
}

module attributes {stable_mosaic.version = 14 : i64} {
  func.func @_router_body(%arg0: i32, %arg1: memref<1024x768xbf16, #tpu.memory_space<vmem>>, %arg2: memref<64x768xbf16, #tpu.memory_space<vmem>>, %arg3: memref<1x64xbf16, #tpu.memory_space<vmem>>, %arg4: memref<1024x64xf32, #tpu.memory_space<vmem>>, %arg5: memref<512x128xf32, #tpu.memory_space<vmem>>, %arg6: memref<1x64xf32, #tpu.memory_space<vmem>>, %arg7: memref<1x64xf32, #tpu.memory_space<vmem>>, %arg8: memref<1x1xf32, #tpu.memory_space<vmem>>) attributes {dimension_semantics = [#tpu.dimension_semantics<arbitrary>], iteration_bounds = array<i64: 32>, scalar_prefetch = 0 : i64, scratch_operands = 0 : i64, tpu.core_type = #tpu.core_type<tc>, window_params = [{transform_indices = @transform_0, window_bounds = array<i64: 1024, 768>}, {pipeline_mode = #tpu.pipeline_mode<synchronous>, transform_indices = @transform_1, window_bounds = array<i64: 64, 768>}, {pipeline_mode = #tpu.pipeline_mode<synchronous>, transform_indices = @transform_2, window_bounds = array<i64: 1, 64>}, {transform_indices = @transform_3, window_bounds = array<i64: 1024, 64>}, {transform_indices = @transform_4, window_bounds = array<i64: 512, 128>}, {pipeline_mode = #tpu.pipeline_mode<synchronous>, transform_indices = @transform_5, window_bounds = array<i64: 1, 64>}, {pipeline_mode = #tpu.pipeline_mode<synchronous>, transform_indices = @transform_6, window_bounds = array<i64: 1, 64>}, {pipeline_mode = #tpu.pipeline_mode<synchronous>, transform_indices = @transform_7, window_bounds = array<i64: 1, 1>}]} {
    %get3A = arith.constant 0 : index
    %get3A_0 = arith.constant 0 : index
    %get3A_1 = vector.load %arg1[%get3A, %get3A_0] : memref<1024x768xbf16, #tpu.memory_space<vmem>>, vector<1024x768xbf16>
    %get3A_2 = arith.constant 0 : index
    %get3A_3 = arith.constant 0 : index
    %get3A_4 = vector.load %arg2[%get3A_2, %get3A_3] : memref<64x768xbf16, #tpu.memory_space<vmem>>, vector<64x768xbf16>
    %dot_general3A = arith.constant dense<0.000000e+00> : vector<1024x64xf32>
    %dot_general3A_5 = tpu.matmul %get3A_1, %get3A_4, %dot_general3A {dimension_numbers = #tpu.dot_dimension_numbers<[1], [1], [0], [0], [0, 0, 1, 0], [], []>, transpose_lhs_hint = false} : vector<1024x768xbf16>, vector<64x768xbf16>, vector<1024x64xf32> -> vector<1024x64xf32>
    %get3A_6 = arith.constant 0 : index
    %get3A_7 = arith.constant 0 : index
    %get3A_8 = vector.load %arg3[%get3A_6, %get3A_7] : memref<1x64xbf16, #tpu.memory_space<vmem>>, vector<1x64xbf16>
    %convert_element_type3A = arith.extf %get3A_8 : vector<1x64xbf16> to vector<1x64xf32>
    %add3A = vector.broadcast %convert_element_type3A : vector<1x64xf32> to vector<1024x64xf32>
    %add3A_9 = arith.addf %dot_general3A_5, %add3A : vector<1024x64xf32>
    %convert_element_type3A_10 = arith.truncf %add3A_9 : vector<1024x64xf32> to vector<1024x64xbf16>
    %convert_element_type3A_11 = arith.extf %convert_element_type3A_10 : vector<1024x64xbf16> to vector<1024x64xf32>
    %exp3A = math.exp %convert_element_type3A_11 : vector<1024x64xf32>
    %reduce_sum3A = arith.constant dense<0.000000e+00> : vector<1024xf32>
    %reduce_sum3A_12 = vector.multi_reduction <add>, %exp3A, %reduce_sum3A [1] : vector<1024x64xf32> to vector<1024xf32>
    %broadcast_in_dim3A = vector.shape_cast %reduce_sum3A_12 : vector<1024xf32> to vector<1024x1xf32>
    %div3A = arith.constant 1.000000e+00 : f32
    %div3A_13 = vector.broadcast %div3A : f32 to vector<1024x1xf32>
    %div3A_14 = arith.divf %div3A_13, %broadcast_in_dim3A : vector<1024x1xf32>
    %mul3A = vector.broadcast %div3A_14 : vector<1024x1xf32> to vector<1024x64xf32>
    %mul3A_15 = arith.mulf %exp3A, %mul3A : vector<1024x64xf32>
    %swap3A = arith.constant 0 : index
    %swap3A_16 = arith.constant 0 : index
    %swap3A_17 = vector.load %arg4[%swap3A, %swap3A_16] : memref<1024x64xf32, #tpu.memory_space<vmem>>, vector<1024x64xf32>
    tpu.vector_store %arg4[%swap3A, %swap3A_16], %mul3A_15 {strides = array<i32>} : memref<1024x64xf32, #tpu.memory_space<vmem>>, vector<1024x64xf32>,
    %transpose3A = tpu.transpose %mul3A_15, [1, 0] : vector<1024x64xf32> -> vector<64x1024xf32>
    %reshape3A = vector.shape_cast %transpose3A : vector<64x1024xf32> to vector<512x128xf32>
    %swap3A_18 = arith.constant 0 : index
    %swap3A_19 = arith.constant 0 : index
    %swap3A_20 = vector.load %arg5[%swap3A_18, %swap3A_19] : memref<512x128xf32, #tpu.memory_space<vmem>>, vector<512x128xf32>
    tpu.vector_store %arg5[%swap3A_18, %swap3A_19], %reshape3A {strides = array<i32>} : memref<512x128xf32, #tpu.memory_space<vmem>>, vector<512x128xf32>,
    %iota3A = tpu.iota {dimensions = array<i32: 1>} : vector<1024x64xi32>
    %bitcast_convert_type3A = tpu.bitcast %mul3A_15 : vector<1024x64xf32> -> vector<1024x64xi32>
    %and3A = arith.constant -64 : i32
    %and3A_21 = vector.broadcast %and3A : i32 to vector<1024x64xi32>
    %and3A_22 = arith.andi %bitcast_convert_type3A, %and3A_21 : vector<1024x64xi32>
    %sub3A = arith.constant 63 : i32
    %sub3A_23 = vector.broadcast %sub3A : i32 to vector<1024x64xi32>
    %sub3A_24 = arith.subi %sub3A_23, %iota3A : vector<1024x64xi32>
    %or3A = arith.ori %and3A_22, %sub3A_24 : vector<1024x64xi32>
    %reduce_max3A = arith.constant dense<-2147483648> : vector<1024xi32>
    %reduce_max3A_25 = vector.multi_reduction <maxsi>, %or3A, %reduce_max3A [1] : vector<1024x64xi32> to vector<1024xi32>
    %broadcast_in_dim3A_26 = vector.shape_cast %reduce_max3A_25 : vector<1024xi32> to vector<1024x1xi32>
    %eq3A = vector.broadcast %broadcast_in_dim3A_26 : vector<1024x1xi32> to vector<1024x64xi32>
    %eq3A_27 = arith.cmpi eq, %or3A, %eq3A : vector<1024x64xi32>
    %reduce_sum3A_28 = arith.constant dense<0.000000e+00> : vector<64xf32>
    %reduce_sum3A_29 = vector.multi_reduction <add>, %mul3A_15, %reduce_sum3A_28 [0] : vector<1024x64xf32> to vector<64xf32>
    %broadcast_in_dim3A_30 = vector.shape_cast %reduce_sum3A_29 : vector<64xf32> to vector<1x64xf32>
    %convert_element_type3A_31 = arith.extui %eq3A_27 : vector<1024x64xi1> to vector<1024x64xi32>
    %convert_element_type3A_32 = arith.sitofp %convert_element_type3A_31 : vector<1024x64xi32> to vector<1024x64xf32>
    %reduce_sum3A_33 = arith.constant dense<0.000000e+00> : vector<64xf32>
    %reduce_sum3A_34 = vector.multi_reduction <add>, %convert_element_type3A_32, %reduce_sum3A_33 [0] : vector<1024x64xf32> to vector<64xf32>
    %broadcast_in_dim3A_35 = vector.shape_cast %reduce_sum3A_34 : vector<64xf32> to vector<1x64xf32>
    %eq3A_36 = arith.constant 0 : i32
    %eq3A_37 = arith.cmpi eq, %arg0, %eq3A_36 : i32
    %convert_element_type3A_38 = arith.extui %eq3A_37 : i1 to i32
    %cond3A = arith.constant 0 : i32
    %cond3A_39 = arith.cmpi ne, %convert_element_type3A_38, %cond3A : i32
    scf.if %cond3A_39 {
      %swap3A_49 = arith.constant 0 : index
      %swap3A_50 = arith.constant 0 : index
      %swap3A_51 = vector.load %arg6[%swap3A_49, %swap3A_50] : memref<1x64xf32, #tpu.memory_space<vmem>>, vector<1x64xf32>
      tpu.vector_store %arg6[%swap3A_49, %swap3A_50], %broadcast_in_dim3A_30 {strides = array<i32>} : memref<1x64xf32, #tpu.memory_space<vmem>>, vector<1x64xf32>,
      %swap3A_52 = arith.constant 0 : index
      %swap3A_53 = arith.constant 0 : index
      %swap3A_54 = vector.load %arg7[%swap3A_52, %swap3A_53] : memref<1x64xf32, #tpu.memory_space<vmem>>, vector<1x64xf32>
      tpu.vector_store %arg7[%swap3A_52, %swap3A_53], %broadcast_in_dim3A_35 {strides = array<i32>} : memref<1x64xf32, #tpu.memory_space<vmem>>, vector<1x64xf32>,
    } else {
    }
    %gt3A = arith.constant 0 : i32
    %gt3A_40 = arith.cmpi sgt, %arg0, %gt3A : i32
    %convert_element_type3A_41 = arith.extui %gt3A_40 : i1 to i32
    %cond3A_42 = arith.constant 0 : i32
    %cond3A_43 = arith.cmpi ne, %convert_element_type3A_41, %cond3A_42 : i32
    scf.if %cond3A_43 {
      %get3A_49 = arith.constant 0 : index
      %get3A_50 = arith.constant 0 : index
      %get3A_51 = vector.load %arg6[%get3A_49, %get3A_50] : memref<1x64xf32, #tpu.memory_space<vmem>>, vector<1x64xf32>
      %add3A_52 = arith.addf %get3A_51, %broadcast_in_dim3A_30 : vector<1x64xf32>
      %swap3A_53 = arith.constant 0 : index
      %swap3A_54 = arith.constant 0 : index
      %swap3A_55 = vector.load %arg6[%swap3A_53, %swap3A_54] : memref<1x64xf32, #tpu.memory_space<vmem>>, vector<1x64xf32>
      tpu.vector_store %arg6[%swap3A_53, %swap3A_54], %add3A_52 {strides = array<i32>} : memref<1x64xf32, #tpu.memory_space<vmem>>, vector<1x64xf32>,
      %get3A_56 = arith.constant 0 : index
      %get3A_57 = arith.constant 0 : index
      %get3A_58 = vector.load %arg7[%get3A_56, %get3A_57] : memref<1x64xf32, #tpu.memory_space<vmem>>, vector<1x64xf32>
      %add3A_59 = arith.addf %get3A_58, %broadcast_in_dim3A_35 : vector<1x64xf32>
      %swap3A_60 = arith.constant 0 : index
      %swap3A_61 = arith.constant 0 : index
      %swap3A_62 = vector.load %arg7[%swap3A_60, %swap3A_61] : memref<1x64xf32, #tpu.memory_space<vmem>>, vector<1x64xf32>
      tpu.vector_store %arg7[%swap3A_60, %swap3A_61], %add3A_59 {strides = array<i32>} : memref<1x64xf32, #tpu.memory_space<vmem>>, vector<1x64xf32>,
    } else {
    }
    %eq3A_44 = arith.constant 31 : i32
    %eq3A_45 = arith.cmpi eq, %arg0, %eq3A_44 : i32
    %convert_element_type3A_46 = arith.extui %eq3A_45 : i1 to i32
    %cond3A_47 = arith.constant 0 : i32
    %cond3A_48 = arith.cmpi ne, %convert_element_type3A_46, %cond3A_47 : i32
    scf.if %cond3A_48 {
      %get3A_49 = arith.constant 0 : index
      %get3A_50 = arith.constant 0 : index
      %get3A_51 = vector.load %arg6[%get3A_49, %get3A_50] : memref<1x64xf32, #tpu.memory_space<vmem>>, vector<1x64xf32>
      %get3A_52 = arith.constant 0 : index
      %get3A_53 = arith.constant 0 : index
      %get3A_54 = vector.load %arg7[%get3A_52, %get3A_53] : memref<1x64xf32, #tpu.memory_space<vmem>>, vector<1x64xf32>
      %mul3A_55 = arith.mulf %get3A_51, %get3A_54 : vector<1x64xf32>
      %reduce_sum3A_56 = vector.shape_cast %mul3A_55 : vector<1x64xf32> to vector<1x1x64xf32>
      %reduce_sum3A_57 = arith.constant dense<0.000000e+00> : vector<1xf32>
      %reduce_sum3A_58 = vector.multi_reduction <add>, %reduce_sum3A_56, %reduce_sum3A_57 [1, 2] : vector<1x1x64xf32> to vector<1xf32>
      %reduce_sum3A_59 = vector.shape_cast %reduce_sum3A_58 : vector<1xf32> to vector<1x1x1xf32>
      %reduce_sum3A_60 = vector.extract %reduce_sum3A_59[0, 0, 0] : f32 from vector<1x1x1xf32>
      %broadcast_in_dim3A_61 = vector.broadcast %reduce_sum3A_60 : f32 to vector<1x1xf32>
      %mul3A_62 = arith.constant 5.96046434E-10 : f32
      %mul3A_63 = vector.broadcast %mul3A_62 : f32 to vector<1x1xf32>
      %mul3A_64 = arith.mulf %broadcast_in_dim3A_61, %mul3A_63 : vector<1x1xf32>
      %swap3A_65 = arith.constant 0 : index
      %swap3A_66 = arith.constant 0 : index
      %swap3A_67 = vector.load %arg8[%swap3A_65, %swap3A_66] : memref<1x1xf32, #tpu.memory_space<vmem>>, vector<1x1xf32>
      tpu.vector_store %arg8[%swap3A_65, %swap3A_66], %mul3A_64 {strides = array<i32>} : memref<1x1xf32, #tpu.memory_space<vmem>>, vector<1x1xf32>,
    } else {
    }
    return
  }
  func.func @transform_0(%arg0: i32) -> (i32, i32) {
    %c0_i32 = arith.constant 0 : i32
    %c0_i32_0 = arith.constant 0 : i32
    return %arg0, %c0_i32 : i32, i32
  }
  func.func @transform_1(%arg0: i32) -> (i32, i32) {
    %c0_i32 = arith.constant 0 : i32
    %c0_i32_0 = arith.constant 0 : i32
    %c0_i32_1 = arith.constant 0 : i32
    return %c0_i32, %c0_i32_0 : i32, i32
  }
  func.func @transform_2(%arg0: i32) -> (i32, i32) {
    %c0_i32 = arith.constant 0 : i32
    %c0_i32_0 = arith.constant 0 : i32
    %c0_i32_1 = arith.constant 0 : i32
    return %c0_i32, %c0_i32_0 : i32, i32
  }
  func.func @transform_3(%arg0: i32) -> (i32, i32) {
    %c0_i32 = arith.constant 0 : i32
    %c0_i32_0 = arith.constant 0 : i32
    return %arg0, %c0_i32 : i32, i32
  }
  func.func @transform_4(%arg0: i32) -> (i32, i32) {
    %c0_i32 = arith.constant 0 : i32
    %c0_i32_0 = arith.constant 0 : i32
    return %arg0, %c0_i32 : i32, i32
  }
  func.func @transform_5(%arg0: i32) -> (i32, i32) {
    %c0_i32 = arith.constant 0 : i32
    %c0_i32_0 = arith.constant 0 : i32
    %c0_i32_1 = arith.constant 0 : i32
    return %c0_i32, %c0_i32_0 : i32, i32
  }
  func.func @transform_6(%arg0: i32) -> (i32, i32) {
    %c0_i32 = arith.constant 0 : i32
    %c0_i32_0 = arith.constant 0 : i32
    %c0_i32_1 = arith.constant 0 : i32
    return %c0_i32, %c0_i32_0 : i32, i32
  }
  func.func @transform_7(%arg0: i32) -> (i32, i32) {
    %c0_i32 = arith.constant 0 : i32
    %c0_i32_0 = arith.constant 0 : i32
    %c0_i32_1 = arith.constant 0 : i32
    return %c0_i32, %c0_i32_0 : i32, i32
  }
}

</mosaic_0001>

<sc_bundles>
// kernel: kernel.4.cloned.1.call-start
scs
__scs_entry_jumppad:
0x0: {  	(pc) =	sbr.rel $0x88, $3  }
0x1: {  	(tag) =	ssettag $0x0;
	lr =	simm.s32 $0x1  }
0x2: {  	[smem:$0x3F9E] =	sst lr;
	_ =	strace $0xD0000000  }
0x3: {  	_ = 	snop  }
0x4: {  	_ = 	snop  }
0x5: {  	_ = 	snop  }
0x6: {  	_ = 	snop  }
0x7: {  	_ = 	snop  }
__scs_overlays_trampoline_lowered:
0x8: {  	[smem:$0x3FAD] =	sst s0  }
0x9: {  	[smem:$0x3FAE] =	sst s1  }
0xa: {  	[smem:$0x3FAF] =	sst s2  }
0xb: {  	[smem:$0x3FB0] =	sst s3  }
0xc: {  	[smem:$0x3FB1] =	sst s4  }
0xd: {  	[smem:$0x3FB2] =	sst s5  }
0xe: {  	[smem:$0x3FB3] =	sst s6  }
0xf: {  	[smem:$0x3FB4] =	sst s7  }
0x10: {  	[smem:$0x3FB5] =	sst s8  }
0x11: {  	[smem:$0x3FB6] =	sst s9;
	s0 =	simm.s32 @!p0 $0x0  }
0x12: {  	s1 =	sld [smem:$0x3F9C];
	s0 =	simm.s32 @p0 $0x1  }
0x13: {  	[smem:$0x3FB7] =	sst s0;
	s0 =	simm.s32 @!p1 $0x0  }
0x14: {  	s2 =	sld [smem:$0x3F9B];
	s0 =	simm.s32 @p1 $0x1  }
0x15: {  	[smem:$0x3FB8] =	sst s0;
	s0 =	simm.s32 @!p2 $0x0  }
0x16: {  	s3 =	sld [smem:$0x3FDB];
	s0 =	simm.s32 @p2 $0x1  }
0x17: {  	s4 =	simm.s32 $0x1BF5;
	[smem:$0x3FBA] =	sst s0  }
0x18: {  	s0 =	sld [smem:$0x3F9D];
	_ =	swait.ge [sflag:s4], $0x0  }
0x19: {  	s7 =	sld [smem:$0x3F9E]  }
0x1a: {  	s8 =	sadd.s32 $0xFFFFE003, lr  }
0x1b: {  	s9 =	sadd.s32 $0xFFFFFEF7, lr;
	s5 =	simm.s32 $0xFFFFFFFF;
	p2 =	slt.u32 s8, $0xFFFFF086  }
0x1c: {  	p1 =	slt.u32 s9, $0xF7A;
	s5 =	simm.s32 @!p2 $0x0  }
0x1d: {  	s5 =	simm.s32 @p1 $0x1;
	p0 =	seq.s32 s7, s2  }
0x1e: {  	s7 =	smul.u32 @!p0 $0xF7A, s2;
	p2 =	seq.s32 @!p0 s5, $0x0  }
0x1f: {  	s9 =	smul.u32 $0xF7A, s1;
	s8 =	simm.s32 @!p0 $0x1BF5;
	p2 =	por !p2, p0  }
0x20: {  	[sflag:s8] =	ssyncset.s32 @!p0 $0xFFFFF086;
	s6 =	sadd.s32 @!p0 s3, s7;
	s7 =	simm.s32 @!p0 $0x108  }
0x21: {  	s3 =	sadd.s32 s3, s9;
	s6 =	sadd.s32 @!p0 $0x88, s6;
	s7 =	simm.s32 @p2 $0x1082  }
0x22: {  	[simem:s7], [sflag:s8] =	dma.local @!p0 [hbm:s6], $0xF7A  }
0x23: {  	s9 =	sor.u32 $0xD0000000, s2;
	s6 =	simm.s32 $0x108;
	_ =	swait.ge @!p0 [sflag:s8], $0x0  }
0x24: {  	s3 =	sadd.s32 $0x88, s3;
	s6 =	simm.s32 @!p1 $0x1082;
	[sflag:s4] =	ssyncset.s32 $0xFFFFF086  }
0x25: {  	[simem:s6], [sflag:s4] =	dma.local [hbm:s3], $0xF7A  }
0x26: {  	[smem:$0x3F9E] =	sst s1;
	(tag) =	ssettag s2;
	_ =	strace s9  }
0x27: {  	s1 =	sld [smem:$0x3FAE]  }
0x28: {  	s2 =	sld [smem:$0x3FAF]  }
0x29: {  	s4 =	sld [smem:$0x3FB1]  }
0x2a: {  	p0 =	seq.s32 s5, $0x0;
	s5 =	sld [smem:$0x3FB2]  }
0x2b: {  	s6 =	sld [smem:$0x3FB3]  }
0x2c: {  	s7 =	sld [smem:$0x3FB4]  }
0x2d: {  	s3 =	simm.s32 $0x108;
	s8 =	sld [smem:$0x3FB5]  }
0x2e: {  	s3 =	simm.s32 @!p0 $0x1082;
	s9 =	sld [smem:$0x3FB6]  }
0x2f: {  	lr =	sadd.s32 s0, s3;
	s0 =	sld [smem:$0x3FAD]  }
0x30: {  	s3 =	sld [smem:$0x3FB0]  }
0x31: {  	[smem:$0x3FB9] =	sst s10  }
0x32: {  	s10 =	sld [smem:$0x3FB7];
	_ =	sdelay $0x3  }
0x33: {  	p0 =	seq.s32 s10, $0x1;
	s10 =	sld [smem:$0x3FB9];
	_ =	sdelay $0x3  }
0x34: {  	[smem:$0x3FB9] =	sst s10  }
0x35: {  	s10 =	sld [smem:$0x3FB8];
	_ =	sdelay $0x3  }
0x36: {  	p1 =	seq.s32 s10, $0x1;
	s10 =	sld [smem:$0x3FB9];
	_ =	sdelay $0x3  }
0x37: {  	[smem:$0x3FB9] =	sst s10  }
0x38: {  	s10 =	sld [smem:$0x3FBA]  }
0x39: {  	_ = 	snop;
	(pc) =	sbr.ind lr, $3  }
0x3a: {  	_ = 	snop  }
0x3b: {  	_ = 	snop  }
0x3c: {  	p2 =	seq.s32 s10, $0x1;
	s10 =	sld [smem:$0x3FB9]  }
0x3d: {  	_ =	shalt  }
0x3e: {  	_ =	shalt  }
0x3f: {  	_ =	shalt  }
0x40: {  	_ =	shalt  }
0x41: {  	_ =	shalt  }
0x42: {  	_ =	shalt  }
0x43: {  	_ =	shalt  }
0x44: {  	_ =	shalt  }
0x45: {  	_ =	shalt  }
0x46: {  	_ =	shalt  }
0x47: {  	_ =	shalt  }
0x48: {  	_ =	shalt  }
0x49: {  	_ =	shalt  }
0x4a: {  	_ =	shalt  }
0x4b: {  	_ =	shalt  }
0x4c: {  	_ =	shalt  }
0x4d: {  	_ =	shalt  }
0x4e: {  	_ =	shalt  }
0x4f: {  	_ =	shalt  }
0x50: {  	_ =	shalt  }
0x51: {  	_ =	shalt  }
0x52: {  	_ =	shalt  }
0x53: {  	_ =	shalt  }
0x54: {  	_ =	shalt  }
0x55: {  	_ =	shalt  }
0x56: {  	_ =	shalt  }
0x57: {  	_ =	shalt  }
0x58: {  	_ =	shalt  }
0x59: {  	_ =	shalt  }
0x5a: {  	_ =	shalt  }
0x5b: {  	_ =	shalt  }
0x5c: {  	_ =	shalt  }
0x5d: {  	_ =	shalt  }
0x5e: {  	_ =	shalt  }
0x5f: {  	_ =	shalt  }
0x60: {  	_ =	shalt  }
0x61: {  	_ =	shalt  }
0x62: {  	_ =	shalt  }
0x63: {  	_ =	shalt  }
0x64: {  	_ =	shalt  }
0x65: {  	_ =	shalt  }
0x66: {  	_ =	shalt  }
0x67: {  	_ =	shalt  }
0x68: {  	_ =	shalt  }
0x69: {  	_ =	shalt  }
0x6a: {  	_ =	shalt  }
0x6b: {  	_ =	shalt  }
0x6c: {  	_ =	shalt  }
0x6d: {  	_ =	shalt  }
0x6e: {  	_ =	shalt  }
0x6f: {  	_ =	shalt  }
0x70: {  	_ =	shalt  }
0x71: {  	_ =	shalt  }
0x72: {  	_ =	shalt  }
0x73: {  	_ =	shalt  }
0x74: {  	_ =	shalt  }
0x75: {  	_ =	shalt  }
0x76: {  	_ =	shalt  }
0x77: {  	_ =	shalt  }
0x78: {  	_ =	shalt  }
0x79: {  	_ =	shalt  }
0x7a: {  	_ =	shalt  }
0x7b: {  	_ =	shalt  }
0x7c: {  	_ =	shalt  }
0x7d: {  	_ =	shalt  }
0x7e: {  	_ =	shalt  }
0x7f: {  	_ =	shalt  }
0x80: {  	_ =	shalt  }
0x81: {  	_ =	shalt  }
0x82: {  	_ =	shalt  }
0x83: {  	_ =	shalt  }
0x84: {  	_ =	shalt  }
0x85: {  	_ =	shalt  }
0x86: {  	_ =	shalt  }
0x87: {  	_ =	shalt  }
.Lfunc_end0:
.L_simem_size_0:
called_computation_lowered:
.L_overlay_start_0:
0x88: {  	s2 =	sld [smem:$0x3FD9]  }
0x89: {  	s3 =	sld [smem:$0x3FFE];
	_ =	sdelay $0x1  }
0x8a: {  	s1 =	srdreg.scid  }
0x8b: {  	s0 =	sand.u32 $0x1, s1  }
0x8c: {  	s14 =	sshll.u32 s0, $0xA;
	s2 =	sadd.s32 s3, s2  }
0x8d: {  	s2 =	sadd.s32 s2, s14  }
0x8e: {  	[smem:$0x3FC5] =	sst s2  }
0x8f: {  	_ = 	snop  }
0x90: {  	s2 =	sld [smem:$0x3FD0];
	_ =	sdelay $0x2  }
0x91: {  	s15 =	simm.s32 $0xA;
	s4 =	simm.s32 $0x10  }
0x92: {  	[smem:s4], [sflag:s15] =	dma.local [hbm:s2], $0x1  }
0x93: {  	_ =	swait.eq [sflag:s15], $0x1  }
0x94: {  	[sflag:s15] =	ssyncset.done $0x0  }
0x95: {  	[sflag:s15] =	ssyncadd.s32 $0xFFFFFFFF  }
0x96: {  	s16 =	sld [smem:$0x10];
	(tm) =	ssettm $0x1  }
0x97: {  	s17 =	sld [smem:$0x3FFB];
	_ =	sdelay $0x3  }
0x98: {  	_ =	strace s17  }
0x99: {  	s3 =	sld [smem:$0x3FFC];
	_ =	sdelay $0x3  }
0x9a: {  	_ =	strace s3  }
0x9b: {  	s3 =	sld [smem:$0x3FFD];
	_ =	sdelay $0x3  }
0x9c: {  	_ =	strace s3  }
0x9d: {  	_ =	strace $0x8FFFFFFF  }
0x9e: {  	s18 =	sld [smem:$0x3FDB];
	_ =	sdelay $0x1  }
0x9f: {  	s19 =	simm.s32 $_scs_section_size  }
0xa0: {  	s5 =	simm.s32 $_size__tile_overlayer_lowered;
	s6 =	simm.s32 $_tile_overlayer_lowered  }
0xa1: {  	s22 =	simm.s32 $0x1BFF;
	s21 =	sshll.u32 s6, $0x1;
	s3 =	sadd.s32 s19, s18  }
0xa2: {  	s7 =	simm.s32 $0x0;
	s20 =	sshll.u32 s5, $0x1;
	s5 =	sadd.s32 s21, s3  }
0xa3: {  	[timem:s7], [sflag:s22] =	dma.local [hbm:s5], s20  }
0xa4: {  	_ =	swait.ge [sflag:s22], s20  }
0xa5: {  	s4 =	ssub.s32 $0x0, s20;
	[sflag:s22] =	ssyncset.done $0x0  }
0xa6: {  	[sflag:s22] =	ssyncadd.s32 s4;
	_ =	sdelay $0x1  }
0xa7: {  	s23 =	simm.s32 $0x1B8B  }
0xa8: {  	_ =	swait.ge [sflag:s23], $0x1  }
0xa9: {  	[sflag:s23] =	ssyncset.done $0x0  }
0xaa: {  	s25 =	simm.s32 $0x1B8E;
	s24 =	sld [smem:$0x3FFE];
	[sflag:s23] =	ssyncadd.s32 $0xFFFFFFFF  }
0xab: {  	s26 =	simm.s32 $execute0_lowered;
	[smem:$0x3FD2] =	sst s25  }
0xac: {  	s5 =	sshll.u32 s26, $0x1;
	_ =	strace $0x80000046;
	[dreg:$0x1] =	wrdreg $0xFFFFFFFF  }
0xad: {  	s28 =	simm.s32 $_size_execute0_lowered;
	s3 =	sadd.s32 s3, s5;
	[dreg:$0x0] =	wrdreg $0x0  }
0xae: {  	s5 =	sshll.u32 s28, $0x1;
	[dreg:$0x2] =	wrdreg s3  }
0xaf: {  	[dreg:$0x3] =	wrdreg s5  }
0xb0: {  	[dreg:$0x4] =	wrdreg $0xC0  }
0xb1: {  	_ =	task [dreg:s7], $0x5FFFF  }
0xb2: {  	[dreg:$0x1] =	wrdreg $0xFFFFFFFF  }
0xb3: {  	[dreg:$0x0] =	wrdreg $0x60  }
0xb4: {  	[dreg:$0x2] =	wrdreg s24  }
0xb5: {  	[dreg:$0x3] =	wrdreg s16  }
0xb6: {  	[dreg:$0x4] =	wrdreg $0x9  }
0xb7: {  	_ =	task.clear_ibuf [dreg:s7], $0x5FFFF;
	_ =	strace $0x90000046  }
0xb8: {  	s29 =	simm.s32 $0x9;
	_ =	strace $0x80000048  }
0xb9: {  	_ =	swait.ge [sflag:s29], $0x1  }
0xba: {  	[sflag:s29] =	ssyncadd.s32 $0xFFFFFFFF  }
0xbb: {  	_ =	strace $0x90000048  }
0xbc: {  	_ =	sfence  }
0xbd: {  	s30 =	sld [smem:$0x0];
	_ =	sdelay $0x2  }
0xbe: {  	s31 =	sshll.u32 s1, $0xD;
	s1 =	sshrl.u32 s1, $0x2  }
0xbf: {  	s3 =	sand.u32 $0x4000, s31;
	s1 =	sadd.s32 s1, s30  }
0xc0: {  	s0 =	sor.u32 s3, s0;
	s1 =	sshll.u32 s1, $0x11  }
0xc1: {  	s0 =	sor.u32 s1, s0  }
0xc2: {  	s0 =	sadd.s32 $0x8F2B, s0  }
0xc3: {  	[sflag:s0] =	ssyncadd.remote.s32 $0x1  }
0xc4: {  	_ =	sfence.sel $0xFFFF  }
0xc5: {  	[dreg:$0x0] =	wrdreg $0xFFFFFFFF;
	(pc) =	sbr.abs _section_cstart, $3  }
0xc6: {  	[dreg:$0x1] =	wrdreg $0xFFFFFFFF  }
0xc7: {  	_ =	task.clear_ibuf [dreg:s7], $0x2FFFF;
	_ =	strace $0x9FFFFFFF  }
0xc8: {  	(tm) =	ssettm $0x7FFFFFFF  }
0xc9: {  	_ =	shalt  }
tec
execute0_lowered:
.L_overlay_start_1:
0x0: {  	(tag) =	ssettag $0x1  }
0x1: {  	s3 =	rddreg [dreg:$0x0]  }
0x2: {  	s6 =	rddreg [dreg:$0x1]  }
0x3: {  	s0 =	rddreg [dreg:$0x2]  }
0x4: {  	s2 =	simm.s32 $0x0;
	s4 =	srdreg.scid;
	s1 =	stileid.u32  }
0x5: {  	s11 =	simm.s32 $0x10400;
	s12 =	simm.s32 $0x10800;
	s13 =	simm.s32 $0x10C00  }
0x6: {  	[smem:$0x7FF] =	sst s2;
	s4 =	sand.u32 $0x1, s4;
	s5 =	sshll.u32 s1, $0x1  }
0x7: {  	s14 =	simm.s32 $0x0;
	_ =	strace $0x80000047;
	s5 =	sor.u32 s4, s5  }
0x8: {  	s4 =	ssub.s32 $0x2, s4;
	s7 =	sshll.u32 s5, $0xD;
	s8 =	sshll.u32 s5, $0x7  }
0x9: {  	s31 =	sshrl.u32 s4, $0x1;
	s7 =	sadd.s32 s7, s3;
	s9 =	sadd.s32 s8, s3  }
0xa: {  	s10 =	ssub.s32 s4, s31;
	s6 =	sadd.s32 s6, s8;
	s3 =	sadd.s32 $0x81200, s7  }
0xb: {  	s4 =	sadd.s32 $0xC2200, s9;
	s5 =	sadd.s32 $0xC3200, s9;
	s7 =	sadd.s32 $0xC1200, s9  }
0xc: {  	s8 =	smax.u32 s10, $0x1;
	s9 =	simm.s32 $0x1;
	s10 =	simm.s32 $0x10000  }
.LBB2_1:
0xd: {  	[tilespmem:s2], [sflag:$0x1] =	stream.linear.gather [hbm4b:s3+s2], $0x10000, $0x38;
	[tilespmem:$0x11000] =	vst v63  }
0xe: {  	_ =	swait.ge [sflag:s9], $0x10000  }
0xf: {  	[sflag:s9] =	ssyncset.done $0x0  }
0x10: {  	s15 =	simm.s32 $0x40;
	s16 =	simm.s32 $0x0;
	[sflag:s9] =	ssyncadd.s32 $0xFFFF0000  }
.LBB2_2:
0x11: {  	v33 =	vimm.f32 $-1.000000000e+00;
	v29 =	vimm.f32 $-2.000000000e+00  }
0x12: {  	v0 =	vimm.s32 $0x0;
	v36 =	vimm.f32 $-1.000000000e+00;
	v12 =	vimm.f32 $-1.000000000e+00  }
0x13: {  	v32 =	vld [tilespmem:s15+$0xFFFFFFC0];
	v31 =	vimm.f32 $-2.000000000e+00;
	v28 =	vimm.f32 $-2.000000000e+00;
	v34 =	vimm.f32 $-1.000000000e+00  }
0x14: {  	v35 =	vld [tilespmem:s15+$0xFFFFFFD0];
	v30 =	vimm.f32 $-1.000000000e+00;
	v27 =	vimm.f32 $-1.000000000e+00;
	v24 =	vimm.f32 $-2.000000000e+00  }
0x15: {  	v26 =	vld [tilespmem:s15+$0xFFFFFFE0];
	v19 =	vimm.f32 $-2.000000000e+00;
	v14 =	vimm.f32 $-2.000000000e+00;
	v20 =	vimm.f32 $-1.000000000e+00  }
0x16: {  	v21 =	vld [tilespmem:s15+$0xFFFFFFF0];
	v17 =	vimm.f32 $-1.000000000e+00;
	v2 =	vimm.s32 $0x0;
	v3 =	vimm.s32 $0x0  }
0x17: {  	v22 =	vld [tilespmem:s15+$0x0];
	v1 =	vimm.s32 $0x0;
	v7 =	vimm.s32 $0x0;
	v6 =	vimm.s32 $0x0  }
0x18: {  	v23 =	vld [tilespmem:s15+$0x10];
	v5 =	vimm.s32 $0x0;
	v4 =	vimm.s32 $0x0;
	v11 =	vimm.s32 $0x0  }
0x19: {  	v25 =	vld [tilespmem:s15+$0x20];
	v9 =	vimm.s32 $0x0;
	v10 =	vimm.s32 $0x0;
	v8 =	vimm.s32 $0x0  }
0x1a: {  	v18 =	vimm.s32 $0x0;
	v37 =	vld [tilespmem:s15+$0x30];
	v15 =	vimm.s32 $0x0;
	v16 =	vimm.s32 $0x0  }
0x1b: {  	v13 =	vimm.s32 $0x0;
	vm6 =	vgt.f32 v32, v33;
	vm4 =	vgt.f32 v35, v33  }
0x1c: {  	vm5 =	vgt.f32 v26, v33;
	vm3 =	vgt.f32 v21, v33;
	vm0 =	vgt.f32 v22, v33  }
0x1d: {  	s17 =	sshll.u32 s16, $0x7;
	vm8 =	vgt.f32 v32, v29;
	vm7 =	vgt.f32 v35, v29;
	vm2 =	vgt.f32 v23, v33  }
0x1e: {  	s18 =	simm.s32 $0x0;
	s19 =	simm.s32 $0x1;
	s20 =	smov.u32 s15;
	vm1 =	vgt.f32 v25, v33;
	v39 =	vsel vm8, v32, v29;
	v38 =	vsel vm7, v35, v29  }
.LBB2_3:
0x1f: {  	p0 =	sne.s32 s19, $0x3F;
	v39 =	vsel vm6, v33, v39;
	v38 =	vsel vm4, v36, v38;
	vm9 =	vgt.f32 v37, v12  }
0x20: {  	vm10 =	vgt.f32 v26, v29;
	vm11 =	vgt.f32 v21, v31;
	vm12 =	vgt.f32 v22, v28  }
0x21: {  	v29 =	vsel vm10, v26, v29;
	v31 =	vsel vm11, v21, v31;
	v28 =	vsel vm12, v22, v28  }
0x22: {  	v29 =	vsel vm5, v34, v29;
	v31 =	vsel vm3, v30, v31;
	v28 =	vsel vm0, v27, v28  }
0x23: {  	vm13 =	vgt.f32 v23, v24;
	vm14 =	vgt.f32 v25, v19;
	vm15 =	vgt.f32 v37, v14  }
0x24: {  	v24 =	vsel vm13, v23, v24;
	v19 =	vsel vm14, v25, v19;
	v14 =	vsel vm15, v37, v14  }
0x25: {  	v24 =	vsel vm2, v20, v24;
	v19 =	vsel vm1, v17, v19;
	v14 =	vsel vm9, v12, v14  }
0x26: {  	v0 =	vsel vm14, s18, v0;
	v2 =	vsel vm15, s18, v2;
	v12 =	vsel vm9, v37, v12  }
0x27: {  	v0 =	vsel vm1, v3, v0;
	v17 =	vsel vm1, v25, v17;
	v2 =	vsel vm9, v1, v2  }
0x28: {  	s20 =	sadd.s32 $0x400, s20;
	v7 =	vsel vm12, s18, v7;
	v6 =	vsel vm13, s18, v6;
	v20 =	vsel vm2, v23, v20  }
0x29: {  	v7 =	vsel vm0, v5, v7;
	v27 =	vsel vm0, v22, v27;
	v6 =	vsel vm2, v4, v6;
	v25 =	vld [tilespmem:s20+$0xFFFFFFC0]  }
0x2a: {  	v11 =	vsel vm10, s18, v11;
	v9 =	vsel vm11, s18, v9;
	v30 =	vsel vm3, v21, v30;
	v37 =	vld [tilespmem:s20+$0xFFFFFFD0]  }
0x2b: {  	v11 =	vsel vm5, v10, v11;
	v34 =	vsel vm5, v26, v34;
	v9 =	vsel vm3, v8, v9;
	v26 =	vld [tilespmem:s20+$0xFFFFFFE0]  }
0x2c: {  	v18 =	vsel vm8, s18, v18;
	v15 =	vsel vm7, s18, v15;
	v36 =	vsel vm4, v35, v36;
	v21 =	vld [tilespmem:s20+$0xFFFFFFF0]  }
0x2d: {  	v33 =	vsel vm6, v32, v33;
	v18 =	vsel vm6, v16, v18;
	v15 =	vsel vm4, v13, v15;
	v22 =	vld [tilespmem:s20+$0x0]  }
0x2e: {  	v4 =	vsel vm2, s18, v4;
	v3 =	vsel vm1, s18, v3;
	v1 =	vsel vm9, s18, v1;
	v23 =	vld [tilespmem:s20+$0x10];
	v32 =	vmovc v25  }
0x2f: {  	v10 =	vsel vm5, s18, v10;
	v8 =	vsel vm3, s18, v8;
	v5 =	vsel vm0, s18, v5;
	v25 =	vld [tilespmem:s20+$0x20];
	v35 =	vmovc v37  }
.Ltmp0:
0x30: {  	v16 =	vsel vm6, s18, v16;
	v13 =	vsel vm4, s18, v13;
	s18 =	smov.u32 s19;
	v37 =	vld [tilespmem:s20+$0x30];
	(pc) =	sbr.rel @p0 .LBB2_3-.Ltmp0, $4  }
0x31: {  	vm6 =	vgt.f32 v32, v33;
	vm4 =	vgt.f32 v35, v36  }
0x32: {  	vm5 =	vgt.f32 v26, v34;
	vm3 =	vgt.f32 v21, v30;
	vm0 =	vgt.f32 v22, v27  }
0x33: {  	vm8 =	vgt.f32 v32, v39;
	vm7 =	vgt.f32 v35, v38;
	vm2 =	vgt.f32 v23, v20  }
0x34: {  	s19 =	sadd.s32 $0x1, s19;
	v39 =	vsel vm8, v32, v39;
	v38 =	vsel vm7, v35, v38;
	vm1 =	vgt.f32 v25, v17  }
0x35: {  	v39 =	vsel vm6, v33, v39;
	v32 =	vsel vm6, v32, v33  }
0x36: {  	v32 =	vsub.f32 v39, v32;
	_ =	sdelay $0x1  }
0x37: {  	v32 =	vmul.f32 $1.442695020e+00, v32;
	_ =	sdelay $0x1  }
0x38: {  	(erf) = vpow2.f32 v32;
	_ =	sdelay $0x7  }
0x39: {  	v42 =	vsel vm4, v36, v38;
	v43 =	vsel vm4, v35, v36  }
0x3a: {  	v32 =	vsub.f32 v42, v43;
	v44 =	vpop (erf)  }
0x3b: {  	v45 =	vadd.f32 $1.000000000e+00, v44  }
0x3c: {  	v32 =	vmul.f32 $1.442695020e+00, v32  }
0x3d: {  	(erf) = vrcp.f32 v45  }
0x3e: {  	(erf) = vpow2.f32 v32;
	_ =	sdelay $0x5  }
0x3f: {  	vm9 =	vgt.f32 v26, v29  }
0x40: {  	v29 =	vsel vm9, v26, v29  }
0x41: {  	v46 =	vsel vm5, v26, v34;
	v29 =	vsel vm5, v34, v29;
	v47 =	vpop (erf)  }
0x42: {  	v26 =	vsub.f32 v29, v46;
	v48 =	vpop (erf)  }
0x43: {  	v49 =	vadd.f32 $1.000000000e+00, v48  }
0x44: {  	v26 =	vmul.f32 $1.442695020e+00, v26  }
0x45: {  	(erf) = vrcp.f32 v49  }
0x46: {  	(erf) = vpow2.f32 v26;
	_ =	sdelay $0x5  }
0x47: {  	vm10 =	vgt.f32 v21, v31  }
0x48: {  	v50 =	vsel vm10, v21, v31  }
0x49: {  	v51 =	vsel vm3, v21, v30;
	v26 =	vsel vm3, v30, v50;
	v29 =	vpop (erf)  }
0x4a: {  	v21 =	vsub.f32 v26, v51;
	v52 =	vpop (erf)  }
0x4b: {  	v53 =	vadd.f32 $1.000000000e+00, v52  }
0x4c: {  	v21 =	vmul.f32 $1.442695020e+00, v21  }
0x4d: {  	(erf) = vrcp.f32 v53  }
0x4e: {  	(erf) = vpow2.f32 v21;
	_ =	sdelay $0x5  }
0x4f: {  	vm11 =	vgt.f32 v22, v28  }
0x50: {  	v54 =	vsel vm11, v22, v28  }
0x51: {  	v55 =	vsel vm0, v22, v27;
	v21 =	vsel vm0, v27, v54;
	v26 =	vpop (erf)  }
0x52: {  	v21 =	vsub.f32 v21, v55;
	v56 =	vpop (erf)  }
0x53: {  	v57 =	vadd.f32 $1.000000000e+00, v56  }
0x54: {  	v21 =	vmul.f32 $1.442695020e+00, v21  }
0x55: {  	(erf) = vrcp.f32 v57  }
0x56: {  	(erf) = vpow2.f32 v21;
	_ =	sdelay $0x5  }
0x57: {  	vm12 =	vgt.f32 v23, v24  }
0x58: {  	v58 =	vsel vm12, v23, v24  }
0x59: {  	v59 =	vsel vm2, v23, v20;
	v21 =	vsel vm2, v20, v58;
	v22 =	vpop (erf)  }
0x5a: {  	v20 =	vsub.f32 v21, v59;
	v60 =	vpop (erf)  }
0x5b: {  	v61 =	vadd.f32 $1.000000000e+00, v60  }
0x5c: {  	v20 =	vmul.f32 $1.442695020e+00, v20  }
0x5d: {  	(erf) = vrcp.f32 v61  }
0x5e: {  	(erf) = vpow2.f32 v20;
	_ =	sdelay $0x5  }
0x5f: {  	vm14 =	vgt.f32 v25, v19  }
0x60: {  	v19 =	vsel vm14, v25, v19  }
0x61: {  	v62 =	vsel vm1, v25, v17;
	v19 =	vsel vm1, v17, v19;
	v63 =	vpop (erf)  }
0x62: {  	v17 =	vsub.f32 v19, v62;
	v28 =	vpop (erf)  }
0x63: {  	v31 =	vadd.f32 $1.000000000e+00, v28  }
0x64: {  	v17 =	vmul.f32 $1.442695020e+00, v17  }
0x65: {  	(erf) = vrcp.f32 v31  }
0x66: {  	(erf) = vpow2.f32 v17;
	_ =	sdelay $0x4  }
0x67: {  	vm15 =	vgt.f32 v37, v14;
	v36 =	vsel vm6, s18, v16  }
0x68: {  	vm13 =	vgt.f32 v37, v12;
	v18 =	vsel vm8, s18, v18;
	v41 =	vsel vm4, s18, v13;
	[tilespmem:s17+$0x10800] =	vst v36  }
0x69: {  	v14 =	vsel vm15, v37, v14;
	v38 =	vsel vm6, v16, v18;
	[tilespmem:s17+$0x10810] =	vst v41;
	v0 =	vsel vm14, s18, v0  }
0x6a: {  	v35 =	vsel vm13, v37, v12;
	v14 =	vsel vm13, v12, v14;
	[tilespmem:s17+$0x10C00] =	vst v38;
	v0 =	vsel vm1, v3, v0;
	v19 =	vpop (erf)  }
0x6b: {  	v15 =	vsel vm7, s18, v15;
	v12 =	vsub.f32 v14, v35;
	[tilespmem:s17+$0x10C60] =	vst v0;
	v62 =	vsel vm13, s18, v1;
	v37 =	vpop (erf)  }
0x6c: {  	v11 =	vsel vm9, s18, v11;
	[tilespmem:s17+$0x10870] =	vst v62;
	v42 =	vsel vm4, v13, v15;
	v39 =	vadd.f32 $1.000000000e+00, v37  }
0x6d: {  	v12 =	vmul.f32 $1.442695020e+00, v12;
	[tilespmem:s17+$0x10C10] =	vst v42;
	v45 =	vsel vm5, v10, v11  }
0x6e: {  	[tilespmem:s17+$0x10C20] =	vst v45;
	(erf) = vrcp.f32 v39  }
0x6f: {  	v34 =	vmul.f32 v47, v44;
	[tilespmem:s17+$0x10000] =	vst v47;
	v44 =	vsel vm5, s18, v10;
	(erf) = vpow2.f32 v12  }
0x70: {  	v9 =	vsel vm10, s18, v9;
	[tilespmem:s17+$0x10820] =	vst v44  }
0x71: {  	[tilespmem:s17+$0x10400] =	vst v34;
	v49 =	vsel vm3, v8, v9  }
0x72: {  	[tilespmem:s17+$0x10C30] =	vst v49  }
0x73: {  	v40 =	vmul.f32 v29, v48;
	[tilespmem:s17+$0x10010] =	vst v29;
	v48 =	vsel vm3, s18, v8  }
0x74: {  	[tilespmem:s17+$0x10830] =	vst v48  }
0x75: {  	v7 =	vsel vm11, s18, v7;
	[tilespmem:s17+$0x10410] =	vst v40;
	v53 =	vsel vm0, s18, v5  }
0x76: {  	v54 =	vsel vm0, v5, v7;
	[tilespmem:s17+$0x10840] =	vst v53  }
0x77: {  	[tilespmem:s17+$0x10C40] =	vst v54;
	v43 =	vmul.f32 v26, v52;
	v47 =	vpop (erf)  }
0x78: {  	v6 =	vsel vm12, s18, v6;
	[tilespmem:s17+$0x10020] =	vst v26;
	v50 =	vpop (erf)  }
0x79: {  	[tilespmem:s17+$0x10420] =	vst v43;
	v57 =	vsel vm2, v4, v6;
	v52 =	vadd.f32 $1.000000000e+00, v50  }
0x7a: {  	[tilespmem:s17+$0x10C50] =	vst v57;
	v59 =	vsel vm1, s18, v3  }
0x7b: {  	[tilespmem:s17+$0x10860] =	vst v59;
	(erf) = vrcp.f32 v52  }
0x7c: {  	v46 =	vmul.f32 v22, v56;
	[tilespmem:s17+$0x10030] =	vst v22;
	v56 =	vsel vm2, s18, v4  }
0x7d: {  	[tilespmem:s17+$0x10850] =	vst v56  }
0x7e: {  	v2 =	vsel vm15, s18, v2;
	[tilespmem:s17+$0x10430] =	vst v46  }
0x7f: {  	v51 =	vmul.f32 v63, v60;
	[tilespmem:s17+$0x10040] =	vst v63;
	v63 =	vsel vm13, v1, v2  }
0x80: {  	[tilespmem:s17+$0x10C70] =	vst v63  }
0x81: {  	s16 =	sadd.s32 $0x1, s16;
	[tilespmem:s17+$0x10440] =	vst v51;
	v55 =	vmul.f32 v19, v28  }
0x82: {  	p0 =	sne.s32 s16, $0x8;
	[tilespmem:s17+$0x10050] =	vst v19  }
.Ltmp1:
0x83: {  	[tilespmem:s17+$0x10450] =	vst v55;
	v58 =	vmul.f32 v47, v37;
	(pc) =	sbr.rel @p0 .LBB2_2-.Ltmp1, $4  }
0x84: {  	[tilespmem:s17+$0x10060] =	vst v47;
	v60 =	vpop (erf)  }
0x85: {  	[tilespmem:s17+$0x10460] =	vst v58;
	v61 =	vmul.f32 v60, v50  }
0x86: {  	[tilespmem:s17+$0x10070] =	vst v60  }
0x87: {  	s15 =	sadd.s32 $0x80, s15;
	[tilespmem:s17+$0x10470] =	vst v61  }
0x88: {  	[hbm4b:s4+s2] =	stream.linear.scatter [tilespmem:s10], [sflag:$0x1], $0x400, $0x38;
	[tilespmem:$0x11000] =	vst v63  }
0x89: {  	_ =	swait.ge [sflag:s9], $0x400  }
0x8a: {  	[sflag:s9] =	ssyncset.done $0x0  }
0x8b: {  	[sflag:s9] =	ssyncadd.s32 $0xFFFFFC00  }
0x8c: {  	[hbm4b:s5+s2] =	stream.linear.scatter [tilespmem:s11], [sflag:$0x1], $0x400, $0x38;
	[tilespmem:$0x11000] =	vst v63  }
0x8d: {  	_ =	swait.ge [sflag:s9], $0x400  }
0x8e: {  	[sflag:s9] =	ssyncset.done $0x0  }
0x8f: {  	[sflag:s9] =	ssyncadd.s32 $0xFFFFFC00  }
0x90: {  	[hbm4b:s6+s2] =	stream.linear.scatter [tilespmem:s12], [sflag:$0x1], $0x400, $0x38;
	[tilespmem:$0x11000] =	vst v63  }
0x91: {  	s14 =	sadd.s32 $0x1, s14;
	_ =	swait.ge [sflag:s9], $0x400  }
0x92: {  	p0 =	sne.s32 s14, s8;
	[sflag:s9] =	ssyncset.done $0x0  }
.Ltmp2:
0x93: {  	[sflag:s9] =	ssyncadd.s32 $0xFFFFFC00;
	(pc) =	sbr.rel @p0 .LBB2_1-.Ltmp2, $4  }
0x94: {  	[hbm4b:s7+s2] =	stream.linear.scatter [tilespmem:s13], [sflag:$0x1], $0x400, $0x38;
	[tilespmem:$0x11000] =	vst v63  }
0x95: {  	_ =	swait.ge [sflag:s9], $0x400  }
0x96: {  	[sflag:s9] =	ssyncset.done $0x0  }
0x97: {  	[sflag:s9] =	ssyncadd.s32 $0xFFFFFC00  }
0x98: {  	_ =	sfence.sel $0x180000  }
0x99: {  	[bflag:$0x0] =	sbarrier.arrive $0xFFFF  }
0x9a: {  	p0 =	sne.s32 s1, $0x0;
	_ =	strace $0x90000047  }
0x9b: {  	s0 =	sadd.s32 @!p0 $0x100000, s0;
	[bflag:$0x2] =	sbarrier.arrive $0xFFFF  }
0x9c: {  	[sflag:s0] =	ssyncadd.tile.s32 @!p0 $0x1;
	_ =	shalt  }
.Lfunc_end2:
_tile_overlayer_lowered:
.L_overlay_start_2:
0x9d: {  	(tag) =	ssettag $0x2  }
0x9e: {  	s0 =	rddreg [dreg:$0x0];
	s2 =	stileid.u32  }
0x9f: {  	s1 =	rddreg [dreg:$0x1];
	p0 =	sne.s32 s2, $0x0  }
0xa0: {  	s3 =	rddreg [dreg:$0x2];
	[bflag:$0x3] =	sbarrier.arrive $0xFFFF;
	s2 =	simm.s32 @!p0 $0x1C01  }
0xa1: {  	[timem:s3], [sflag:s2] =	dma.local @!p0 [hbm:s0], s1  }
0xa2: {  	s0 =	simm.s32 @!p0 $0x1  }
0xa3: {  	_ =	swait.ge @!p0 [sflag:s0], s1  }
0xa4: {  	s1 =	ssub.s32 @!p0 $0x0, s1;
	[sflag:s0] =	ssyncset.done @!p0 $0x0  }
0xa5: {  	[sflag:s0] =	ssyncadd.s32 @!p0 s1  }
0xa6: {  	[bflag:$0x3] =	sbarrier.arrive $0xFFFF  }
0xa7: {  	_ =	shalt  }

</sc_bundles>
